<compile_context>
chip_gen: v7x
topology: tpu7x:2x2x1
jax: 0.10.2.dev20260603
libtpu: 0.0.44.dev20260713+nightly
codegen_flags: <defaults>
</compile_context>

<pallas_src>
import dataclasses
import functools

import jax
import jax.numpy as jnp
from jax import lax
from jax.experimental import pallas as pl
from jax.experimental.pallas import tpu as pltpu
from jax.experimental.pallas import tpu_sc as plsc

N = 10000
E = 320000
D = 128
N_PAD = 10240
TILES = 32
W = 128
NW = 80
E_PAD = TILES * NW * W
RPS = N_PAD // 16
DEG_W = 128
NBUF = 2
PH = 2
NWP = NW // PH


def _mesh():
    return plsc.VectorSubcoreMesh(core_axis_name="c", subcore_axis_name="s")


DEG_R = N_PAD // D


def _sc_deg(dst_r, rowidx, zrows):

    @functools.partial(
        pl.kernel,
        out_type=jax.ShapeDtypeStruct((2, DEG_R, D), jnp.float32),
        mesh=_mesh(),
        compiler_params=_compiler_params(),
        scratch_types=[
            pltpu.VMEM((NW, W), jnp.int32),
            pltpu.VMEM((1, DEG_R), jnp.int32),
            pltpu.VMEM((DEG_R, D), jnp.float32),
            pltpu.VMEM_SHARED((DEG_R, D), jnp.float32),
        ],
    )
    def k(dst_hbm, rowidx_hbm, z_hbm, out_hbm, dst_v, rix_v, hist_v, deg_sh):
        c = lax.axis_index("c")
        s = lax.axis_index("s")
        wid = c * 16 + s

        @pl.when(s == 0)
        def _():
            pltpu.sync_copy(z_hbm.at[pl.ds(0, DEG_R)], deg_sh)

        pltpu.sync_copy(dst_hbm.at[wid], dst_v)
        pltpu.sync_copy(rowidx_hbm, rix_v)

        @pl.loop(0, DEG_R)
        def _(r):
            @pl.loop(0, D, step=16)
            def _(j):
                hist_v[r, pl.ds(j, 16)] = jnp.zeros((16,), jnp.float32)

        ones16 = jnp.ones((16,), jnp.float32)
        m127 = jnp.full((16,), 127, jnp.int32)
        sh7 = jnp.full((16,), 7, jnp.int32)

        @pl.loop(0, NW)
        def _(w):
            @pl.loop(0, W, step=16)
            def _(j):
                ix = dst_v[w, pl.ds(j, 16)]
                ir = lax.shift_right_logical(ix, sh7)
                ic = lax.bitwise_and(ix, m127)
                plsc.addupdate_scatter(hist_v, [ir, ic], ones16)

        plsc.subcore_barrier()
        pltpu.sync_copy(hist_v, deg_sh.at[rix_v.at[0]], add=True)
        plsc.subcore_barrier()

        @pl.when(s < 5)
        def _():
            pltpu.sync_copy(
                deg_sh.at[pl.ds(s * 16, 16)], out_hbm.at[c, pl.ds(s * 16, 16)]
            )

    return k(dst_r, rowidx, zrows)


def _compiler_params():
    cp = pltpu.CompilerParams()
    if "needs_layout_passes" in pltpu.CompilerParams.__dataclass_fields__:
        cp = dataclasses.replace(cp, needs_layout_passes=False)
    return cp


def _sc_pass(hb, src_r, dst_r, zrows):

    @functools.partial(
        pl.kernel,
        out_type=jax.ShapeDtypeStruct((2, N_PAD, D), jnp.float32),
        mesh=_mesh(),
        compiler_params=_compiler_params(),
        scratch_types=[
            pltpu.VMEM((NWP, W), jnp.int32),
            pltpu.VMEM((NWP, W), jnp.int32),
            pltpu.VMEM_SHARED((N_PAD, D), jnp.float32),
        ]
        + [pltpu.VMEM((W, D), jnp.float32) for _ in range(NBUF)]
        + [pltpu.SemaphoreType.DMA for _ in range(NBUF)],
    )
    def k(h_hbm, src_hbm, dst_hbm, z_hbm, out_hbm, src_v, dst_v,
          acc_sh, *bufs_sems):
        rows = bufs_sems[:NBUF]
        sems = bufs_sems[NBUF : 2 * NBUF]
        c = lax.axis_index("c")
        s = lax.axis_index("s")
        wid = c * 16 + s

        pltpu.sync_copy(z_hbm, acc_sh.at[pl.ds(s * RPS, RPS)])
        plsc.subcore_barrier()

        for p in range(PH):
            pltpu.sync_copy(src_hbm.at[wid, pl.ds(p * NWP, NWP)], src_v)
            pltpu.sync_copy(dst_hbm.at[wid, pl.ds(p * NWP, NWP)], dst_v)

            for b in range(NBUF):
                pltpu.async_copy(h_hbm.at[src_v.at[b]], rows[b], sems[b])

            @pl.loop(0, NWP, step=NBUF)
            def _(w):
                for b in range(NBUF):
                    pltpu.make_async_copy(
                        h_hbm.at[src_v.at[w + b]], rows[b], sems[b]
                    ).wait()
                    pltpu.sync_copy(rows[b], acc_sh.at[dst_v.at[w + b]], add=True)
                    nxt = jnp.minimum(w + b + NBUF, NWP - 1)
                    pltpu.async_copy(h_hbm.at[src_v.at[nxt]], rows[b], sems[b])

            for b in range(NBUF):
                pltpu.make_async_copy(
                    h_hbm.at[src_v.at[NWP - 1]], rows[b], sems[b]
                ).wait()

        plsc.subcore_barrier()
        pltpu.sync_copy(
            acc_sh.at[pl.ds(s * RPS, RPS)], out_hbm.at[c, pl.ds(s * RPS, RPS)]
        )

    return k(hb, src_r, dst_r, zrows)


def _tc_mm(x, Wmat):

    def body(x_ref, w_ref, o_ref):
        o_ref[...] = jax.lax.dot_general(
            x_ref[...], w_ref[...], (((1,), (1,)), ((), ())),
            preferred_element_type=jnp.float32,
        )

    return pl.pallas_call(
        body, out_shape=jax.ShapeDtypeStruct((N, D), jnp.float32)
    )(x, Wmat)


def _dinv_from(deg0, deg1):
    d = (deg0 + deg1).reshape(N_PAD)[0:N, None] + 1.0
    return jax.lax.rsqrt(d)


def _tc_scale(h, deg2):

    def body(h_ref, deg_ref, o_ref):
        dinv = _dinv_from(deg_ref[0], deg_ref[1])
        o_ref[...] = h_ref[...] * dinv

    return pl.pallas_call(
        body, out_shape=jax.ShapeDtypeStruct((N, D), jnp.float32)
    )(h, deg2)


def _tc_mid(acc, h1, deg2, b, Wmat):

    def body(acc_ref, h1_ref, deg_ref, b_ref, w_ref, o_ref):
        dinv = _dinv_from(deg_ref[0], deg_ref[1])
        ssum = acc_ref[0, 0:N, :] + acc_ref[1, 0:N, :] + h1_ref[...] * dinv
        z = jnp.maximum(ssum * dinv + b_ref[...], 0.0)
        h2 = jax.lax.dot_general(
            z, w_ref[...], (((1,), (1,)), ((), ())),
            preferred_element_type=jnp.float32,
        )
        o_ref[...] = h2 * dinv

    return pl.pallas_call(
        body, out_shape=jax.ShapeDtypeStruct((N, D), jnp.float32)
    )(acc, h1, deg2, b.reshape(1, D), Wmat)


def _tc_out(acc, h2s, deg2, b):

    def body(acc_ref, h2s_ref, deg_ref, b_ref, o_ref):
        dinv = _dinv_from(deg_ref[0], deg_ref[1])
        ssum = acc_ref[0, 0:N, :] + acc_ref[1, 0:N, :] + h2s_ref[...]
        o_ref[...] = ssum * dinv + b_ref[...]

    return pl.pallas_call(
        body, out_shape=jax.ShapeDtypeStruct((N, D), jnp.float32)
    )(acc, h2s, deg2, b.reshape(1, D))


def kernel(x, edge_index, W1, b1, W2, b2):
    src = edge_index[0].astype(jnp.int32)
    dst = edge_index[1].astype(jnp.int32)
    npad = E_PAD - E
    src_pad = jnp.concatenate([src, jnp.zeros((npad,), jnp.int32)])
    dst_pad = jnp.concatenate([dst, jnp.full((npad,), N, jnp.int32)])
    src_r = src_pad.reshape(TILES, NW, W)
    dst_r = dst_pad.reshape(TILES, NW, W)
    rowidx = jnp.arange(N_PAD // D, dtype=jnp.int32).reshape(1, N_PAD // D)
    zrows = jnp.zeros((RPS, D), jnp.float32)

    deg2 = _sc_deg(dst_r, rowidx, zrows)
    h1 = _tc_mm(x, W1)
    h1s = _tc_scale(h1, deg2)
    acc1 = _sc_pass(h1s, src_r, dst_r, zrows)
    h2s = _tc_mid(acc1, h1, deg2, b1, W2)
    acc2 = _sc_pass(h2s, src_r, dst_r, zrows)
    return _tc_out(acc2, h2s, deg2, b2)

# --- scband reference (transcript-rebuilt; emitter-appended) ---
"""Pipeline reference for scband-gcn-15985868276243 (READ-ONLY COPY).

The authoritative reference and input builder live on the scoring server;
editing this copy changes nothing except your own understanding.
"""

import jax, jax.numpy as jnp
import numpy as np

N_NODES = 10000
N_EDGES = 320000
D_IN = 128
D_HID = 128
D_OUT = 128


def setup_inputs(seed: int = 0) -> dict:
    key = jax.random.key(seed)
    k1, k2, k3, k4, k5, k6 = jax.random.split(key, 6)
    x = jax.random.normal(k1, (N_NODES, D_IN), dtype=jnp.float32)
    edge_index = jax.random.randint(k2, (2, N_EDGES), 0, N_NODES, dtype=jnp.int64)
    # GCNConv params: lin.weight has shape [out, in] (PyG convention), plus bias [out]
    W1 = jax.random.normal(k3, (D_HID, D_IN), dtype=jnp.float32) * (2.0 / D_IN) ** 0.5
    b1 = jnp.zeros((D_HID,), dtype=jnp.float32)
    W2 = jax.random.normal(k4, (D_OUT, D_HID), dtype=jnp.float32) * (2.0 / D_HID) ** 0.5
    b2 = jnp.zeros((D_OUT,), dtype=jnp.float32)
    return {"x": x, "edge_index": edge_index, "W1": W1, "b1": b1, "W2": W2, "b2": b2}


def _gcn_conv(x, src, dst, W, b):
    N = x.shape[0]
    h = x @ W.T
    deg = jnp.zeros((N,), dtype=x.dtype).at[dst].add(1.0)
    dinv = jax.lax.rsqrt(deg)
    norm = dinv[src] * dinv[dst]
    msg = jnp.take(h, src, axis=0) * norm[:, None]
    out = jnp.zeros((N, h.shape[1]), dtype=x.dtype).at[dst].add(msg)
    return out + b


def reference(x, edge_index, W1, b1, W2, b2):
    N = x.shape[0]
    loop = jnp.arange(N, dtype=edge_index.dtype)
    src = jnp.concatenate([edge_index[0], loop])
    dst = jnp.concatenate([edge_index[1], loop])
    h = _gcn_conv(x, src, dst, W1, b1)
    h = jax.nn.relu(h)
    out = _gcn_conv(h, src, dst, W2, b2)
    # multi_class=True -> return raw logits (no sigmoid)
    return out

if __name__ == "__main__":
    import jax
    _d = setup_inputs()
    print(jax.jit(kernel)(*tuple(_d.values())))

</pallas_src>

<mosaic_0001>
#map = affine_map<(d0, d1) -> (0, 0)>
#map1 = affine_map<(d0, d1) -> (0, 0, 0)>
module attributes {stable_mosaic.version = 14 : i64} {
  func.func @k(%arg0: i32, %arg1: i32, %arg2: memref<10000x128xf32, #tpu.memory_space<hbm>>, %arg3: memref<32x80x128xi32, #tpu.memory_space<hbm>>, %arg4: memref<32x80x128xi32, #tpu.memory_space<hbm>>, %arg5: memref<640x128xf32, #tpu.memory_space<hbm>>, %arg6: memref<2x10240x128xf32, #tpu.memory_space<hbm>>, %arg7: memref<40x128xi32, #tpu.memory_space<vmem>>, %arg8: memref<40x128xi32, #tpu.memory_space<vmem>>, %arg9: memref<10240x128xf32, #tpu.memory_space<vmem_shared>>, %arg10: memref<128x128xf32, #tpu.memory_space<vmem>>, %arg11: memref<128x128xf32, #tpu.memory_space<vmem>>, %arg12: memref<!tpu.dma_semaphore, #tpu.memory_space<semaphore_mem>>, %arg13: memref<!tpu.dma_semaphore, #tpu.memory_space<semaphore_mem>>) attributes {dimension_semantics = [#tpu.dimension_semantics<core_parallel>, #tpu.dimension_semantics<subcore_parallel>], iteration_bounds = array<i64: 2, 16>, scalar_prefetch = 0 : i64, scratch_operands = 7 : i64, tpu.core_type = #tpu.core_type<sc_vector_subcore>, window_params = [{transform_indices = #map}, {transform_indices = #map1}, {transform_indices = #map1}, {transform_indices = #map}, {transform_indices = #map1}]} {
    %mul3A = arith.constant 16 : i32
    %mul3A_0 = arith.muli %arg0, %mul3A : i32
    %add3A = arith.addi %mul3A_0, %arg1 : i32
    %mul3A_1 = arith.constant 640 : i32
    %mul3A_2 = arith.muli %arg1, %mul3A_1 : i32
    "tpu.region"() ({
      %run_scoped3A = tpu.sem_alloc : memref<!tpu.dma_semaphore, #tpu.memory_space<semaphore_mem>>
      %dma_start3A_71 = arith.constant 0 : i32
      %dma_start3A_72 = tpu.memref_slice %arg9[%mul3A_2, %dma_start3A_71] : memref<10240x128xf32, #tpu.memory_space<vmem_shared>> -> memref<640x128xf32, #tpu.memory_space<vmem_shared>>
      tpu.enqueue_dma source(%arg5 : memref<640x128xf32, #tpu.memory_space<hbm>>) target(%dma_start3A_72 : memref<640x128xf32, #tpu.memory_space<vmem_shared>>) target_semaphore(%run_scoped3A : memref<!tpu.dma_semaphore, #tpu.memory_space<semaphore_mem>>)
      %dma_wait3A_73 = arith.constant 0 : i32
      %dma_wait3A_74 = tpu.memref_slice %arg9[%mul3A_2, %dma_wait3A_73] : memref<10240x128xf32, #tpu.memory_space<vmem_shared>> -> memref<640x128xf32, #tpu.memory_space<vmem_shared>>
      tpu.wait_dma2 semaphore(%run_scoped3A : memref<!tpu.dma_semaphore, #tpu.memory_space<semaphore_mem>>) src(%arg5 : memref<640x128xf32, #tpu.memory_space<hbm>>) dst(%dma_wait3A_74 : memref<640x128xf32, #tpu.memory_space<vmem_shared>>)
      tpu.yield
    }) : () -> ()
    %barrier3A = arith.constant 0 : index
    tpu.barrier barrier_id(%barrier3A)
    "tpu.region"() ({
      %run_scoped3A = tpu.sem_alloc : memref<!tpu.dma_semaphore, #tpu.memory_space<semaphore_mem>>
      %dma_start3A_71 = arith.constant 0 : i32
      %dma_start3A_72 = arith.constant 0 : i32
      %dma_start3A_73 = tpu.memref_slice %arg3[%add3A, %dma_start3A_71, %dma_start3A_72] : memref<32x80x128xi32, #tpu.memory_space<hbm>> -> memref<1x40x128xi32, #tpu.memory_space<hbm>>
      %dma_start3A_74 = tpu.memref_squeeze %dma_start3A_73 : memref<1x40x128xi32, #tpu.memory_space<hbm>> -> memref<40x128xi32, #tpu.memory_space<hbm>>
      %dma_start3A_75 = arith.constant 0 : i32
      %dma_start3A_76 = arith.constant 0 : i32
      %dma_start3A_77 = tpu.memref_slice %arg3[%add3A, %dma_start3A_75, %dma_start3A_76] : memref<32x80x128xi32, #tpu.memory_space<hbm>> -> memref<1x40x128xi32, #tpu.memory_space<hbm>>
      %dma_start3A_78 = tpu.memref_squeeze %dma_start3A_77 : memref<1x40x128xi32, #tpu.memory_space<hbm>> -> memref<40x128xi32, #tpu.memory_space<hbm>>
      tpu.enqueue_dma source(%dma_start3A_78 : memref<40x128xi32, #tpu.memory_space<hbm>>) target(%arg7 : memref<40x128xi32, #tpu.memory_space<vmem>>) target_semaphore(%run_scoped3A : memref<!tpu.dma_semaphore, #tpu.memory_space<semaphore_mem>>)
      %dma_wait3A_79 = arith.constant 0 : i32
      %dma_wait3A_80 = arith.constant 0 : i32
      %dma_wait3A_81 = tpu.memref_slice %arg3[%add3A, %dma_wait3A_79, %dma_wait3A_80] : memref<32x80x128xi32, #tpu.memory_space<hbm>> -> memref<1x40x128xi32, #tpu.memory_space<hbm>>
      %dma_wait3A_82 = tpu.memref_squeeze %dma_wait3A_81 : memref<1x40x128xi32, #tpu.memory_space<hbm>> -> memref<40x128xi32, #tpu.memory_space<hbm>>
      %dma_wait3A_83 = arith.constant 0 : i32
      %dma_wait3A_84 = arith.constant 0 : i32
      %dma_wait3A_85 = tpu.memref_slice %arg3[%add3A, %dma_wait3A_83, %dma_wait3A_84] : memref<32x80x128xi32, #tpu.memory_space<hbm>> -> memref<1x40x128xi32, #tpu.memory_space<hbm>>
      %dma_wait3A_86 = tpu.memref_squeeze %dma_wait3A_85 : memref<1x40x128xi32, #tpu.memory_space<hbm>> -> memref<40x128xi32, #tpu.memory_space<hbm>>
      tpu.wait_dma2 semaphore(%run_scoped3A : memref<!tpu.dma_semaphore, #tpu.memory_space<semaphore_mem>>) src(%dma_wait3A_86 : memref<40x128xi32, #tpu.memory_space<hbm>>) dst(%arg7 : memref<40x128xi32, #tpu.memory_space<vmem>>)
      tpu.yield
    }) : () -> ()
    "tpu.region"() ({
      %run_scoped3A = tpu.sem_alloc : memref<!tpu.dma_semaphore, #tpu.memory_space<semaphore_mem>>
      %dma_start3A_71 = arith.constant 0 : i32
      %dma_start3A_72 = arith.constant 0 : i32
      %dma_start3A_73 = tpu.memref_slice %arg4[%add3A, %dma_start3A_71, %dma_start3A_72] : memref<32x80x128xi32, #tpu.memory_space<hbm>> -> memref<1x40x128xi32, #tpu.memory_space<hbm>>
      %dma_start3A_74 = tpu.memref_squeeze %dma_start3A_73 : memref<1x40x128xi32, #tpu.memory_space<hbm>> -> memref<40x128xi32, #tpu.memory_space<hbm>>
      %dma_start3A_75 = arith.constant 0 : i32
      %dma_start3A_76 = arith.constant 0 : i32
      %dma_start3A_77 = tpu.memref_slice %arg4[%add3A, %dma_start3A_75, %dma_start3A_76] : memref<32x80x128xi32, #tpu.memory_space<hbm>> -> memref<1x40x128xi32, #tpu.memory_space<hbm>>
      %dma_start3A_78 = tpu.memref_squeeze %dma_start3A_77 : memref<1x40x128xi32, #tpu.memory_space<hbm>> -> memref<40x128xi32, #tpu.memory_space<hbm>>
      tpu.enqueue_dma source(%dma_start3A_78 : memref<40x128xi32, #tpu.memory_space<hbm>>) target(%arg8 : memref<40x128xi32, #tpu.memory_space<vmem>>) target_semaphore(%run_scoped3A : memref<!tpu.dma_semaphore, #tpu.memory_space<semaphore_mem>>)
      %dma_wait3A_79 = arith.constant 0 : i32
      %dma_wait3A_80 = arith.constant 0 : i32
      %dma_wait3A_81 = tpu.memref_slice %arg4[%add3A, %dma_wait3A_79, %dma_wait3A_80] : memref<32x80x128xi32, #tpu.memory_space<hbm>> -> memref<1x40x128xi32, #tpu.memory_space<hbm>>
      %dma_wait3A_82 = tpu.memref_squeeze %dma_wait3A_81 : memref<1x40x128xi32, #tpu.memory_space<hbm>> -> memref<40x128xi32, #tpu.memory_space<hbm>>
      %dma_wait3A_83 = arith.constant 0 : i32
      %dma_wait3A_84 = arith.constant 0 : i32
      %dma_wait3A_85 = tpu.memref_slice %arg4[%add3A, %dma_wait3A_83, %dma_wait3A_84] : memref<32x80x128xi32, #tpu.memory_space<hbm>> -> memref<1x40x128xi32, #tpu.memory_space<hbm>>
      %dma_wait3A_86 = tpu.memref_squeeze %dma_wait3A_85 : memref<1x40x128xi32, #tpu.memory_space<hbm>> -> memref<40x128xi32, #tpu.memory_space<hbm>>
      tpu.wait_dma2 semaphore(%run_scoped3A : memref<!tpu.dma_semaphore, #tpu.memory_space<semaphore_mem>>) src(%dma_wait3A_86 : memref<40x128xi32, #tpu.memory_space<hbm>>) dst(%arg8 : memref<40x128xi32, #tpu.memory_space<vmem>>)
      tpu.yield
    }) : () -> ()
    %dma_start3A = arith.constant 0 : i32
    %dma_start3A_3 = arith.constant 0 : i32
    %dma_start3A_4 = tpu.memref_slice %arg7[%dma_start3A, %dma_start3A_3] : memref<40x128xi32, #tpu.memory_space<vmem>> -> memref<1x128xi32, #tpu.memory_space<vmem>>
    %dma_start3A_5 = tpu.memref_squeeze %dma_start3A_4 : memref<1x128xi32, #tpu.memory_space<vmem>> -> memref<128xi32, #tpu.memory_space<vmem>>
    %dma_start3A_6 = arith.constant 0 : i32
    %dma_start3A_7 = arith.constant 0 : i32
    %dma_start3A_8 = tpu.memref_slice %arg2[%dma_start3A_6, %dma_start3A_7] : memref<10000x128xf32, #tpu.memory_space<hbm>> -> memref<10000x128xf32, #tpu.memory_space<hbm>>
    tpu.enqueue_indirect_dma source(%dma_start3A_8 : memref<10000x128xf32, #tpu.memory_space<hbm>>) target(%arg10 : memref<128x128xf32, #tpu.memory_space<vmem>>) offsets(%dma_start3A_5 : memref<128xi32, #tpu.memory_space<vmem>>) semaphore(%arg12 : memref<!tpu.dma_semaphore, #tpu.memory_space<semaphore_mem>>)
    %dma_start3A_9 = arith.constant 1 : i32
    %dma_start3A_10 = arith.constant 0 : i32
    %dma_start3A_11 = tpu.memref_slice %arg7[%dma_start3A_9, %dma_start3A_10] : memref<40x128xi32, #tpu.memory_space<vmem>> -> memref<1x128xi32, #tpu.memory_space<vmem>>
    %dma_start3A_12 = tpu.memref_squeeze %dma_start3A_11 : memref<1x128xi32, #tpu.memory_space<vmem>> -> memref<128xi32, #tpu.memory_space<vmem>>
    %dma_start3A_13 = arith.constant 0 : i32
    %dma_start3A_14 = arith.constant 0 : i32
    %dma_start3A_15 = tpu.memref_slice %arg2[%dma_start3A_13, %dma_start3A_14] : memref<10000x128xf32, #tpu.memory_space<hbm>> -> memref<10000x128xf32, #tpu.memory_space<hbm>>
    tpu.enqueue_indirect_dma source(%dma_start3A_15 : memref<10000x128xf32, #tpu.memory_space<hbm>>) target(%arg11 : memref<128x128xf32, #tpu.memory_space<vmem>>) offsets(%dma_start3A_12 : memref<128xi32, #tpu.memory_space<vmem>>) semaphore(%arg13 : memref<!tpu.dma_semaphore, #tpu.memory_space<semaphore_mem>>)
    %scan3A = arith.constant 0 : i32
    %scan3A_16 = arith.constant 20 : i32
    %scan3A_17 = arith.addi %scan3A, %scan3A_16 : i32
    %scan3A_18 = arith.constant 1 : i32
    scf.for %scan3A_71 = %scan3A to %scan3A_17 step %scan3A_18  : i32 {
      %mul3A_72 = arith.constant 2 : i32
      %mul3A_73 = arith.muli %scan3A_71, %mul3A_72 : i32
      %add3A_74 = arith.constant 0 : i32
      %add3A_75 = arith.addi %add3A_74, %mul3A_73 : i32
      %add3A_76 = arith.constant 0 : i32
      %add3A_77 = arith.addi %add3A_75, %add3A_76 : i32
      %dma_wait3A_78 = arith.constant 0 : i32
      %dma_wait3A_79 = tpu.memref_slice %arg7[%add3A_77, %dma_wait3A_78] : memref<40x128xi32, #tpu.memory_space<vmem>> -> memref<1x128xi32, #tpu.memory_space<vmem>>
      %dma_wait3A_80 = tpu.memref_squeeze %dma_wait3A_79 : memref<1x128xi32, #tpu.memory_space<vmem>> -> memref<128xi32, #tpu.memory_space<vmem>>
      %dma_wait3A_81 = arith.constant 0 : i32
      %dma_wait3A_82 = arith.constant 0 : i32
      %dma_wait3A_83 = tpu.memref_slice %arg2[%dma_wait3A_81, %dma_wait3A_82] : memref<10000x128xf32, #tpu.memory_space<hbm>> -> memref<10000x128xf32, #tpu.memory_space<hbm>>
      tpu.wait_indirect_dma semaphore(%arg12 : memref<!tpu.dma_semaphore, #tpu.memory_space<semaphore_mem>>) src(%dma_wait3A_83 : memref<10000x128xf32, #tpu.memory_space<hbm>>) dst(%arg10 : memref<128x128xf32, #tpu.memory_space<vmem>>)
      %add3A_84 = arith.constant 0 : i32
      %add3A_85 = arith.addi %add3A_75, %add3A_84 : i32
      "tpu.region"() ({
        %run_scoped3A = tpu.sem_alloc : memref<!tpu.dma_semaphore, #tpu.memory_space<semaphore_mem>>
        %dma_start3A_119 = arith.constant 0 : i32
        %dma_start3A_120 = tpu.memref_slice %arg8[%add3A_85, %dma_start3A_119] : memref<40x128xi32, #tpu.memory_space<vmem>> -> memref<1x128xi32, #tpu.memory_space<vmem>>
        %dma_start3A_121 = tpu.memref_squeeze %dma_start3A_120 : memref<1x128xi32, #tpu.memory_space<vmem>> -> memref<128xi32, #tpu.memory_space<vmem>>
        %dma_start3A_122 = arith.constant 0 : i32
        %dma_start3A_123 = arith.constant 0 : i32
        %dma_start3A_124 = tpu.memref_slice %arg9[%dma_start3A_122, %dma_start3A_123] : memref<10240x128xf32, #tpu.memory_space<vmem_shared>> -> memref<10240x128xf32, #tpu.memory_space<vmem_shared>>
        tpu.enqueue_indirect_dma source(%arg10 : memref<128x128xf32, #tpu.memory_space<vmem>>) target(%dma_start3A_124 : memref<10240x128xf32, #tpu.memory_space<vmem_shared>>) offsets(%dma_start3A_121 : memref<128xi32, #tpu.memory_space<vmem>>) semaphore(%run_scoped3A : memref<!tpu.dma_semaphore, #tpu.memory_space<semaphore_mem>>) {add = true}
        %dma_wait3A_125 = arith.constant 0 : i32
        %dma_wait3A_126 = tpu.memref_slice %arg8[%add3A_85, %dma_wait3A_125] : memref<40x128xi32, #tpu.memory_space<vmem>> -> memref<1x128xi32, #tpu.memory_space<vmem>>
        %dma_wait3A_127 = tpu.memref_squeeze %dma_wait3A_126 : memref<1x128xi32, #tpu.memory_space<vmem>> -> memref<128xi32, #tpu.memory_space<vmem>>
        %dma_wait3A_128 = arith.constant 0 : i32
        %dma_wait3A_129 = arith.constant 0 : i32
        %dma_wait3A_130 = tpu.memref_slice %arg9[%dma_wait3A_128, %dma_wait3A_129] : memref<10240x128xf32, #tpu.memory_space<vmem_shared>> -> memref<10240x128xf32, #tpu.memory_space<vmem_shared>>
        tpu.wait_indirect_dma semaphore(%run_scoped3A : memref<!tpu.dma_semaphore, #tpu.memory_space<semaphore_mem>>) src(%arg10 : memref<128x128xf32, #tpu.memory_space<vmem>>) dst(%dma_wait3A_130 : memref<10240x128xf32, #tpu.memory_space<vmem_shared>>)
        tpu.yield
      }) : () -> ()
      %add3A_86 = arith.constant 0 : i32
      %add3A_87 = arith.addi %add3A_75, %add3A_86 : i32
      %add3A_88 = arith.constant 2 : i32
      %add3A_89 = arith.addi %add3A_87, %add3A_88 : i32
      %min3A = arith.constant 39 : i32
      %min3A_90 = arith.minsi %add3A_89, %min3A : i32
      %dma_start3A_91 = arith.constant 0 : i32
      %dma_start3A_92 = tpu.memref_slice %arg7[%min3A_90, %dma_start3A_91] : memref<40x128xi32, #tpu.memory_space<vmem>> -> memref<1x128xi32, #tpu.memory_space<vmem>>
      %dma_start3A_93 = tpu.memref_squeeze %dma_start3A_92 : memref<1x128xi32, #tpu.memory_space<vmem>> -> memref<128xi32, #tpu.memory_space<vmem>>
      %dma_start3A_94 = arith.constant 0 : i32
      %dma_start3A_95 = arith.constant 0 : i32
      %dma_start3A_96 = tpu.memref_slice %arg2[%dma_start3A_94, %dma_start3A_95] : memref<10000x128xf32, #tpu.memory_space<hbm>> -> memref<10000x128xf32, #tpu.memory_space<hbm>>
      tpu.enqueue_indirect_dma source(%dma_start3A_96 : memref<10000x128xf32, #tpu.memory_space<hbm>>) target(%arg10 : memref<128x128xf32, #tpu.memory_space<vmem>>) offsets(%dma_start3A_93 : memref<128xi32, #tpu.memory_space<vmem>>) semaphore(%arg12 : memref<!tpu.dma_semaphore, #tpu.memory_space<semaphore_mem>>)
      %add3A_97 = arith.constant 1 : i32
      %add3A_98 = arith.addi %add3A_75, %add3A_97 : i32
      %dma_wait3A_99 = arith.constant 0 : i32
      %dma_wait3A_100 = tpu.memref_slice %arg7[%add3A_98, %dma_wait3A_99] : memref<40x128xi32, #tpu.memory_space<vmem>> -> memref<1x128xi32, #tpu.memory_space<vmem>>
      %dma_wait3A_101 = tpu.memref_squeeze %dma_wait3A_100 : memref<1x128xi32, #tpu.memory_space<vmem>> -> memref<128xi32, #tpu.memory_space<vmem>>
      %dma_wait3A_102 = arith.constant 0 : i32
      %dma_wait3A_103 = arith.constant 0 : i32
      %dma_wait3A_104 = tpu.memref_slice %arg2[%dma_wait3A_102, %dma_wait3A_103] : memref<10000x128xf32, #tpu.memory_space<hbm>> -> memref<10000x128xf32, #tpu.memory_space<hbm>>
      tpu.wait_indirect_dma semaphore(%arg13 : memref<!tpu.dma_semaphore, #tpu.memory_space<semaphore_mem>>) src(%dma_wait3A_104 : memref<10000x128xf32, #tpu.memory_space<hbm>>) dst(%arg11 : memref<128x128xf32, #tpu.memory_space<vmem>>)
      %add3A_105 = arith.constant 1 : i32
      %add3A_106 = arith.addi %add3A_75, %add3A_105 : i32
      "tpu.region"() ({
        %run_scoped3A = tpu.sem_alloc : memref<!tpu.dma_semaphore, #tpu.memory_space<semaphore_mem>>
        %dma_start3A_119 = arith.constant 0 : i32
        %dma_start3A_120 = tpu.memref_slice %arg8[%add3A_106, %dma_start3A_119] : memref<40x128xi32, #tpu.memory_space<vmem>> -> memref<1x128xi32, #tpu.memory_space<vmem>>
        %dma_start3A_121 = tpu.memref_squeeze %dma_start3A_120 : memref<1x128xi32, #tpu.memory_space<vmem>> -> memref<128xi32, #tpu.memory_space<vmem>>
        %dma_start3A_122 = arith.constant 0 : i32
        %dma_start3A_123 = arith.constant 0 : i32
        %dma_start3A_124 = tpu.memref_slice %arg9[%dma_start3A_122, %dma_start3A_123] : memref<10240x128xf32, #tpu.memory_space<vmem_shared>> -> memref<10240x128xf32, #tpu.memory_space<vmem_shared>>
        tpu.enqueue_indirect_dma source(%arg11 : memref<128x128xf32, #tpu.memory_space<vmem>>) target(%dma_start3A_124 : memref<10240x128xf32, #tpu.memory_space<vmem_shared>>) offsets(%dma_start3A_121 : memref<128xi32, #tpu.memory_space<vmem>>) semaphore(%run_scoped3A : memref<!tpu.dma_semaphore, #tpu.memory_space<semaphore_mem>>) {add = true}
        %dma_wait3A_125 = arith.constant 0 : i32
        %dma_wait3A_126 = tpu.memref_slice %arg8[%add3A_106, %dma_wait3A_125] : memref<40x128xi32, #tpu.memory_space<vmem>> -> memref<1x128xi32, #tpu.memory_space<vmem>>
        %dma_wait3A_127 = tpu.memref_squeeze %dma_wait3A_126 : memref<1x128xi32, #tpu.memory_space<vmem>> -> memref<128xi32, #tpu.memory_space<vmem>>
        %dma_wait3A_128 = arith.constant 0 : i32
        %dma_wait3A_129 = arith.constant 0 : i32
        %dma_wait3A_130 = tpu.memref_slice %arg9[%dma_wait3A_128, %dma_wait3A_129] : memref<10240x128xf32, #tpu.memory_space<vmem_shared>> -> memref<10240x128xf32, #tpu.memory_space<vmem_shared>>
        tpu.wait_indirect_dma semaphore(%run_scoped3A : memref<!tpu.dma_semaphore, #tpu.memory_space<semaphore_mem>>) src(%arg11 : memref<128x128xf32, #tpu.memory_space<vmem>>) dst(%dma_wait3A_130 : memref<10240x128xf32, #tpu.memory_space<vmem_shared>>)
        tpu.yield
      }) : () -> ()
      %add3A_107 = arith.constant 1 : i32
      %add3A_108 = arith.addi %add3A_75, %add3A_107 : i32
      %add3A_109 = arith.constant 2 : i32
      %add3A_110 = arith.addi %add3A_108, %add3A_109 : i32
      %min3A_111 = arith.constant 39 : i32
      %min3A_112 = arith.minsi %add3A_110, %min3A_111 : i32
      %dma_start3A_113 = arith.constant 0 : i32
      %dma_start3A_114 = tpu.memref_slice %arg7[%min3A_112, %dma_start3A_113] : memref<40x128xi32, #tpu.memory_space<vmem>> -> memref<1x128xi32, #tpu.memory_space<vmem>>
      %dma_start3A_115 = tpu.memref_squeeze %dma_start3A_114 : memref<1x128xi32, #tpu.memory_space<vmem>> -> memref<128xi32, #tpu.memory_space<vmem>>
      %dma_start3A_116 = arith.constant 0 : i32
      %dma_start3A_117 = arith.constant 0 : i32
      %dma_start3A_118 = tpu.memref_slice %arg2[%dma_start3A_116, %dma_start3A_117] : memref<10000x128xf32, #tpu.memory_space<hbm>> -> memref<10000x128xf32, #tpu.memory_space<hbm>>
      tpu.enqueue_indirect_dma source(%dma_start3A_118 : memref<10000x128xf32, #tpu.memory_space<hbm>>) target(%arg11 : memref<128x128xf32, #tpu.memory_space<vmem>>) offsets(%dma_start3A_115 : memref<128xi32, #tpu.memory_space<vmem>>) semaphore(%arg13 : memref<!tpu.dma_semaphore, #tpu.memory_space<semaphore_mem>>)
    }
    %scan3A_19 = arith.constant 20 : i32
    %dma_wait3A = arith.constant 39 : i32
    %dma_wait3A_20 = arith.constant 0 : i32
    %dma_wait3A_21 = tpu.memref_slice %arg7[%dma_wait3A, %dma_wait3A_20] : memref<40x128xi32, #tpu.memory_space<vmem>> -> memref<1x128xi32, #tpu.memory_space<vmem>>
    %dma_wait3A_22 = tpu.memref_squeeze %dma_wait3A_21 : memref<1x128xi32, #tpu.memory_space<vmem>> -> memref<128xi32, #tpu.memory_space<vmem>>
    %dma_wait3A_23 = arith.constant 0 : i32
    %dma_wait3A_24 = arith.constant 0 : i32
    %dma_wait3A_25 = tpu.memref_slice %arg2[%dma_wait3A_23, %dma_wait3A_24] : memref<10000x128xf32, #tpu.memory_space<hbm>> -> memref<10000x128xf32, #tpu.memory_space<hbm>>
    tpu.wait_indirect_dma semaphore(%arg12 : memref<!tpu.dma_semaphore, #tpu.memory_space<semaphore_mem>>) src(%dma_wait3A_25 : memref<10000x128xf32, #tpu.memory_space<hbm>>) dst(%arg10 : memref<128x128xf32, #tpu.memory_space<vmem>>)
    %dma_wait3A_26 = arith.constant 39 : i32
    %dma_wait3A_27 = arith.constant 0 : i32
    %dma_wait3A_28 = tpu.memref_slice %arg7[%dma_wait3A_26, %dma_wait3A_27] : memref<40x128xi32, #tpu.memory_space<vmem>> -> memref<1x128xi32, #tpu.memory_space<vmem>>
    %dma_wait3A_29 = tpu.memref_squeeze %dma_wait3A_28 : memref<1x128xi32, #tpu.memory_space<vmem>> -> memref<128xi32, #tpu.memory_space<vmem>>
    %dma_wait3A_30 = arith.constant 0 : i32
    %dma_wait3A_31 = arith.constant 0 : i32
    %dma_wait3A_32 = tpu.memref_slice %arg2[%dma_wait3A_30, %dma_wait3A_31] : memref<10000x128xf32, #tpu.memory_space<hbm>> -> memref<10000x128xf32, #tpu.memory_space<hbm>>
    tpu.wait_indirect_dma semaphore(%arg13 : memref<!tpu.dma_semaphore, #tpu.memory_space<semaphore_mem>>) src(%dma_wait3A_32 : memref<10000x128xf32, #tpu.memory_space<hbm>>) dst(%arg11 : memref<128x128xf32, #tpu.memory_space<vmem>>)
    "tpu.region"() ({
      %run_scoped3A = tpu.sem_alloc : memref<!tpu.dma_semaphore, #tpu.memory_space<semaphore_mem>>
      %dma_start3A_71 = arith.constant 40 : i32
      %dma_start3A_72 = arith.constant 0 : i32
      %dma_start3A_73 = tpu.memref_slice %arg3[%add3A, %dma_start3A_71, %dma_start3A_72] : memref<32x80x128xi32, #tpu.memory_space<hbm>> -> memref<1x40x128xi32, #tpu.memory_space<hbm>>
      %dma_start3A_74 = tpu.memref_squeeze %dma_start3A_73 : memref<1x40x128xi32, #tpu.memory_space<hbm>> -> memref<40x128xi32, #tpu.memory_space<hbm>>
      %dma_start3A_75 = arith.constant 40 : i32
      %dma_start3A_76 = arith.constant 0 : i32
      %dma_start3A_77 = tpu.memref_slice %arg3[%add3A, %dma_start3A_75, %dma_start3A_76] : memref<32x80x128xi32, #tpu.memory_space<hbm>> -> memref<1x40x128xi32, #tpu.memory_space<hbm>>
      %dma_start3A_78 = tpu.memref_squeeze %dma_start3A_77 : memref<1x40x128xi32, #tpu.memory_space<hbm>> -> memref<40x128xi32, #tpu.memory_space<hbm>>
      tpu.enqueue_dma source(%dma_start3A_78 : memref<40x128xi32, #tpu.memory_space<hbm>>) target(%arg7 : memref<40x128xi32, #tpu.memory_space<vmem>>) target_semaphore(%run_scoped3A : memref<!tpu.dma_semaphore, #tpu.memory_space<semaphore_mem>>)
      %dma_wait3A_79 = arith.constant 40 : i32
      %dma_wait3A_80 = arith.constant 0 : i32
      %dma_wait3A_81 = tpu.memref_slice %arg3[%add3A, %dma_wait3A_79, %dma_wait3A_80] : memref<32x80x128xi32, #tpu.memory_space<hbm>> -> memref<1x40x128xi32, #tpu.memory_space<hbm>>
      %dma_wait3A_82 = tpu.memref_squeeze %dma_wait3A_81 : memref<1x40x128xi32, #tpu.memory_space<hbm>> -> memref<40x128xi32, #tpu.memory_space<hbm>>
      %dma_wait3A_83 = arith.constant 40 : i32
      %dma_wait3A_84 = arith.constant 0 : i32
      %dma_wait3A_85 = tpu.memref_slice %arg3[%add3A, %dma_wait3A_83, %dma_wait3A_84] : memref<32x80x128xi32, #tpu.memory_space<hbm>> -> memref<1x40x128xi32, #tpu.memory_space<hbm>>
      %dma_wait3A_86 = tpu.memref_squeeze %dma_wait3A_85 : memref<1x40x128xi32, #tpu.memory_space<hbm>> -> memref<40x128xi32, #tpu.memory_space<hbm>>
      tpu.wait_dma2 semaphore(%run_scoped3A : memref<!tpu.dma_semaphore, #tpu.memory_space<semaphore_mem>>) src(%dma_wait3A_86 : memref<40x128xi32, #tpu.memory_space<hbm>>) dst(%arg7 : memref<40x128xi32, #tpu.memory_space<vmem>>)
      tpu.yield
    }) : () -> ()
    "tpu.region"() ({
      %run_scoped3A = tpu.sem_alloc : memref<!tpu.dma_semaphore, #tpu.memory_space<semaphore_mem>>
      %dma_start3A_71 = arith.constant 40 : i32
      %dma_start3A_72 = arith.constant 0 : i32
      %dma_start3A_73 = tpu.memref_slice %arg4[%add3A, %dma_start3A_71, %dma_start3A_72] : memref<32x80x128xi32, #tpu.memory_space<hbm>> -> memref<1x40x128xi32, #tpu.memory_space<hbm>>
      %dma_start3A_74 = tpu.memref_squeeze %dma_start3A_73 : memref<1x40x128xi32, #tpu.memory_space<hbm>> -> memref<40x128xi32, #tpu.memory_space<hbm>>
      %dma_start3A_75 = arith.constant 40 : i32
      %dma_start3A_76 = arith.constant 0 : i32
      %dma_start3A_77 = tpu.memref_slice %arg4[%add3A, %dma_start3A_75, %dma_start3A_76] : memref<32x80x128xi32, #tpu.memory_space<hbm>> -> memref<1x40x128xi32, #tpu.memory_space<hbm>>
      %dma_start3A_78 = tpu.memref_squeeze %dma_start3A_77 : memref<1x40x128xi32, #tpu.memory_space<hbm>> -> memref<40x128xi32, #tpu.memory_space<hbm>>
      tpu.enqueue_dma source(%dma_start3A_78 : memref<40x128xi32, #tpu.memory_space<hbm>>) target(%arg8 : memref<40x128xi32, #tpu.memory_space<vmem>>) target_semaphore(%run_scoped3A : memref<!tpu.dma_semaphore, #tpu.memory_space<semaphore_mem>>)
      %dma_wait3A_79 = arith.constant 40 : i32
      %dma_wait3A_80 = arith.constant 0 : i32
      %dma_wait3A_81 = tpu.memref_slice %arg4[%add3A, %dma_wait3A_79, %dma_wait3A_80] : memref<32x80x128xi32, #tpu.memory_space<hbm>> -> memref<1x40x128xi32, #tpu.memory_space<hbm>>
      %dma_wait3A_82 = tpu.memref_squeeze %dma_wait3A_81 : memref<1x40x128xi32, #tpu.memory_space<hbm>> -> memref<40x128xi32, #tpu.memory_space<hbm>>
      %dma_wait3A_83 = arith.constant 40 : i32
      %dma_wait3A_84 = arith.constant 0 : i32
      %dma_wait3A_85 = tpu.memref_slice %arg4[%add3A, %dma_wait3A_83, %dma_wait3A_84] : memref<32x80x128xi32, #tpu.memory_space<hbm>> -> memref<1x40x128xi32, #tpu.memory_space<hbm>>
      %dma_wait3A_86 = tpu.memref_squeeze %dma_wait3A_85 : memref<1x40x128xi32, #tpu.memory_space<hbm>> -> memref<40x128xi32, #tpu.memory_space<hbm>>
      tpu.wait_dma2 semaphore(%run_scoped3A : memref<!tpu.dma_semaphore, #tpu.memory_space<semaphore_mem>>) src(%dma_wait3A_86 : memref<40x128xi32, #tpu.memory_space<hbm>>) dst(%arg8 : memref<40x128xi32, #tpu.memory_space<vmem>>)
      tpu.yield
    }) : () -> ()
    %dma_start3A_33 = arith.constant 0 : i32
    %dma_start3A_34 = arith.constant 0 : i32
    %dma_start3A_35 = tpu.memref_slice %arg7[%dma_start3A_33, %dma_start3A_34] : memref<40x128xi32, #tpu.memory_space<vmem>> -> memref<1x128xi32, #tpu.memory_space<vmem>>
    %dma_start3A_36 = tpu.memref_squeeze %dma_start3A_35 : memref<1x128xi32, #tpu.memory_space<vmem>> -> memref<128xi32, #tpu.memory_space<vmem>>
    %dma_start3A_37 = arith.constant 0 : i32
    %dma_start3A_38 = arith.constant 0 : i32
    %dma_start3A_39 = tpu.memref_slice %arg2[%dma_start3A_37, %dma_start3A_38] : memref<10000x128xf32, #tpu.memory_space<hbm>> -> memref<10000x128xf32, #tpu.memory_space<hbm>>
    tpu.enqueue_indirect_dma source(%dma_start3A_39 : memref<10000x128xf32, #tpu.memory_space<hbm>>) target(%arg10 : memref<128x128xf32, #tpu.memory_space<vmem>>) offsets(%dma_start3A_36 : memref<128xi32, #tpu.memory_space<vmem>>) semaphore(%arg12 : memref<!tpu.dma_semaphore, #tpu.memory_space<semaphore_mem>>)
    %dma_start3A_40 = arith.constant 1 : i32
    %dma_start3A_41 = arith.constant 0 : i32
    %dma_start3A_42 = tpu.memref_slice %arg7[%dma_start3A_40, %dma_start3A_41] : memref<40x128xi32, #tpu.memory_space<vmem>> -> memref<1x128xi32, #tpu.memory_space<vmem>>
    %dma_start3A_43 = tpu.memref_squeeze %dma_start3A_42 : memref<1x128xi32, #tpu.memory_space<vmem>> -> memref<128xi32, #tpu.memory_space<vmem>>
    %dma_start3A_44 = arith.constant 0 : i32
    %dma_start3A_45 = arith.constant 0 : i32
    %dma_start3A_46 = tpu.memref_slice %arg2[%dma_start3A_44, %dma_start3A_45] : memref<10000x128xf32, #tpu.memory_space<hbm>> -> memref<10000x128xf32, #tpu.memory_space<hbm>>
    tpu.enqueue_indirect_dma source(%dma_start3A_46 : memref<10000x128xf32, #tpu.memory_space<hbm>>) target(%arg11 : memref<128x128xf32, #tpu.memory_space<vmem>>) offsets(%dma_start3A_43 : memref<128xi32, #tpu.memory_space<vmem>>) semaphore(%arg13 : memref<!tpu.dma_semaphore, #tpu.memory_space<semaphore_mem>>)
    %scan3A_47 = arith.constant 0 : i32
    %scan3A_48 = arith.constant 20 : i32
    %scan3A_49 = arith.addi %scan3A_47, %scan3A_48 : i32
    %scan3A_50 = arith.constant 1 : i32
    scf.for %scan3A_71 = %scan3A_47 to %scan3A_49 step %scan3A_50  : i32 {
      %mul3A_72 = arith.constant 2 : i32
      %mul3A_73 = arith.muli %scan3A_71, %mul3A_72 : i32
      %add3A_74 = arith.constant 0 : i32
      %add3A_75 = arith.addi %add3A_74, %mul3A_73 : i32
      %add3A_76 = arith.constant 0 : i32
      %add3A_77 = arith.addi %add3A_75, %add3A_76 : i32
      %dma_wait3A_78 = arith.constant 0 : i32
      %dma_wait3A_79 = tpu.memref_slice %arg7[%add3A_77, %dma_wait3A_78] : memref<40x128xi32, #tpu.memory_space<vmem>> -> memref<1x128xi32, #tpu.memory_space<vmem>>
      %dma_wait3A_80 = tpu.memref_squeeze %dma_wait3A_79 : memref<1x128xi32, #tpu.memory_space<vmem>> -> memref<128xi32, #tpu.memory_space<vmem>>
      %dma_wait3A_81 = arith.constant 0 : i32
      %dma_wait3A_82 = arith.constant 0 : i32
      %dma_wait3A_83 = tpu.memref_slice %arg2[%dma_wait3A_81, %dma_wait3A_82] : memref<10000x128xf32, #tpu.memory_space<hbm>> -> memref<10000x128xf32, #tpu.memory_space<hbm>>
      tpu.wait_indirect_dma semaphore(%arg12 : memref<!tpu.dma_semaphore, #tpu.memory_space<semaphore_mem>>) src(%dma_wait3A_83 : memref<10000x128xf32, #tpu.memory_space<hbm>>) dst(%arg10 : memref<128x128xf32, #tpu.memory_space<vmem>>)
      %add3A_84 = arith.constant 0 : i32
      %add3A_85 = arith.addi %add3A_75, %add3A_84 : i32
      "tpu.region"() ({
        %run_scoped3A = tpu.sem_alloc : memref<!tpu.dma_semaphore, #tpu.memory_space<semaphore_mem>>
        %dma_start3A_119 = arith.constant 0 : i32
        %dma_start3A_120 = tpu.memref_slice %arg8[%add3A_85, %dma_start3A_119] : memref<40x128xi32, #tpu.memory_space<vmem>> -> memref<1x128xi32, #tpu.memory_space<vmem>>
        %dma_start3A_121 = tpu.memref_squeeze %dma_start3A_120 : memref<1x128xi32, #tpu.memory_space<vmem>> -> memref<128xi32, #tpu.memory_space<vmem>>
        %dma_start3A_122 = arith.constant 0 : i32
        %dma_start3A_123 = arith.constant 0 : i32
        %dma_start3A_124 = tpu.memref_slice %arg9[%dma_start3A_122, %dma_start3A_123] : memref<10240x128xf32, #tpu.memory_space<vmem_shared>> -> memref<10240x128xf32, #tpu.memory_space<vmem_shared>>
        tpu.enqueue_indirect_dma source(%arg10 : memref<128x128xf32, #tpu.memory_space<vmem>>) target(%dma_start3A_124 : memref<10240x128xf32, #tpu.memory_space<vmem_shared>>) offsets(%dma_start3A_121 : memref<128xi32, #tpu.memory_space<vmem>>) semaphore(%run_scoped3A : memref<!tpu.dma_semaphore, #tpu.memory_space<semaphore_mem>>) {add = true}
        %dma_wait3A_125 = arith.constant 0 : i32
        %dma_wait3A_126 = tpu.memref_slice %arg8[%add3A_85, %dma_wait3A_125] : memref<40x128xi32, #tpu.memory_space<vmem>> -> memref<1x128xi32, #tpu.memory_space<vmem>>
        %dma_wait3A_127 = tpu.memref_squeeze %dma_wait3A_126 : memref<1x128xi32, #tpu.memory_space<vmem>> -> memref<128xi32, #tpu.memory_space<vmem>>
        %dma_wait3A_128 = arith.constant 0 : i32
        %dma_wait3A_129 = arith.constant 0 : i32
        %dma_wait3A_130 = tpu.memref_slice %arg9[%dma_wait3A_128, %dma_wait3A_129] : memref<10240x128xf32, #tpu.memory_space<vmem_shared>> -> memref<10240x128xf32, #tpu.memory_space<vmem_shared>>
        tpu.wait_indirect_dma semaphore(%run_scoped3A : memref<!tpu.dma_semaphore, #tpu.memory_space<semaphore_mem>>) src(%arg10 : memref<128x128xf32, #tpu.memory_space<vmem>>) dst(%dma_wait3A_130 : memref<10240x128xf32, #tpu.memory_space<vmem_shared>>)
        tpu.yield
      }) : () -> ()
      %add3A_86 = arith.constant 0 : i32
      %add3A_87 = arith.addi %add3A_75, %add3A_86 : i32
      %add3A_88 = arith.constant 2 : i32
      %add3A_89 = arith.addi %add3A_87, %add3A_88 : i32
      %min3A = arith.constant 39 : i32
      %min3A_90 = arith.minsi %add3A_89, %min3A : i32
      %dma_start3A_91 = arith.constant 0 : i32
      %dma_start3A_92 = tpu.memref_slice %arg7[%min3A_90, %dma_start3A_91] : memref<40x128xi32, #tpu.memory_space<vmem>> -> memref<1x128xi32, #tpu.memory_space<vmem>>
      %dma_start3A_93 = tpu.memref_squeeze %dma_start3A_92 : memref<1x128xi32, #tpu.memory_space<vmem>> -> memref<128xi32, #tpu.memory_space<vmem>>
      %dma_start3A_94 = arith.constant 0 : i32
      %dma_start3A_95 = arith.constant 0 : i32
      %dma_start3A_96 = tpu.memref_slice %arg2[%dma_start3A_94, %dma_start3A_95] : memref<10000x128xf32, #tpu.memory_space<hbm>> -> memref<10000x128xf32, #tpu.memory_space<hbm>>
      tpu.enqueue_indirect_dma source(%dma_start3A_96 : memref<10000x128xf32, #tpu.memory_space<hbm>>) target(%arg10 : memref<128x128xf32, #tpu.memory_space<vmem>>) offsets(%dma_start3A_93 : memref<128xi32, #tpu.memory_space<vmem>>) semaphore(%arg12 : memref<!tpu.dma_semaphore, #tpu.memory_space<semaphore_mem>>)
      %add3A_97 = arith.constant 1 : i32
      %add3A_98 = arith.addi %add3A_75, %add3A_97 : i32
      %dma_wait3A_99 = arith.constant 0 : i32
      %dma_wait3A_100 = tpu.memref_slice %arg7[%add3A_98, %dma_wait3A_99] : memref<40x128xi32, #tpu.memory_space<vmem>> -> memref<1x128xi32, #tpu.memory_space<vmem>>
      %dma_wait3A_101 = tpu.memref_squeeze %dma_wait3A_100 : memref<1x128xi32, #tpu.memory_space<vmem>> -> memref<128xi32, #tpu.memory_space<vmem>>
      %dma_wait3A_102 = arith.constant 0 : i32
      %dma_wait3A_103 = arith.constant 0 : i32
      %dma_wait3A_104 = tpu.memref_slice %arg2[%dma_wait3A_102, %dma_wait3A_103] : memref<10000x128xf32, #tpu.memory_space<hbm>> -> memref<10000x128xf32, #tpu.memory_space<hbm>>
      tpu.wait_indirect_dma semaphore(%arg13 : memref<!tpu.dma_semaphore, #tpu.memory_space<semaphore_mem>>) src(%dma_wait3A_104 : memref<10000x128xf32, #tpu.memory_space<hbm>>) dst(%arg11 : memref<128x128xf32, #tpu.memory_space<vmem>>)
      %add3A_105 = arith.constant 1 : i32
      %add3A_106 = arith.addi %add3A_75, %add3A_105 : i32
      "tpu.region"() ({
        %run_scoped3A = tpu.sem_alloc : memref<!tpu.dma_semaphore, #tpu.memory_space<semaphore_mem>>
        %dma_start3A_119 = arith.constant 0 : i32
        %dma_start3A_120 = tpu.memref_slice %arg8[%add3A_106, %dma_start3A_119] : memref<40x128xi32, #tpu.memory_space<vmem>> -> memref<1x128xi32, #tpu.memory_space<vmem>>
        %dma_start3A_121 = tpu.memref_squeeze %dma_start3A_120 : memref<1x128xi32, #tpu.memory_space<vmem>> -> memref<128xi32, #tpu.memory_space<vmem>>
        %dma_start3A_122 = arith.constant 0 : i32
        %dma_start3A_123 = arith.constant 0 : i32
        %dma_start3A_124 = tpu.memref_slice %arg9[%dma_start3A_122, %dma_start3A_123] : memref<10240x128xf32, #tpu.memory_space<vmem_shared>> -> memref<10240x128xf32, #tpu.memory_space<vmem_shared>>
        tpu.enqueue_indirect_dma source(%arg11 : memref<128x128xf32, #tpu.memory_space<vmem>>) target(%dma_start3A_124 : memref<10240x128xf32, #tpu.memory_space<vmem_shared>>) offsets(%dma_start3A_121 : memref<128xi32, #tpu.memory_space<vmem>>) semaphore(%run_scoped3A : memref<!tpu.dma_semaphore, #tpu.memory_space<semaphore_mem>>) {add = true}
        %dma_wait3A_125 = arith.constant 0 : i32
        %dma_wait3A_126 = tpu.memref_slice %arg8[%add3A_106, %dma_wait3A_125] : memref<40x128xi32, #tpu.memory_space<vmem>> -> memref<1x128xi32, #tpu.memory_space<vmem>>
        %dma_wait3A_127 = tpu.memref_squeeze %dma_wait3A_126 : memref<1x128xi32, #tpu.memory_space<vmem>> -> memref<128xi32, #tpu.memory_space<vmem>>
        %dma_wait3A_128 = arith.constant 0 : i32
        %dma_wait3A_129 = arith.constant 0 : i32
        %dma_wait3A_130 = tpu.memref_slice %arg9[%dma_wait3A_128, %dma_wait3A_129] : memref<10240x128xf32, #tpu.memory_space<vmem_shared>> -> memref<10240x128xf32, #tpu.memory_space<vmem_shared>>
        tpu.wait_indirect_dma semaphore(%run_scoped3A : memref<!tpu.dma_semaphore, #tpu.memory_space<semaphore_mem>>) src(%arg11 : memref<128x128xf32, #tpu.memory_space<vmem>>) dst(%dma_wait3A_130 : memref<10240x128xf32, #tpu.memory_space<vmem_shared>>)
        tpu.yield
      }) : () -> ()
      %add3A_107 = arith.constant 1 : i32
      %add3A_108 = arith.addi %add3A_75, %add3A_107 : i32
      %add3A_109 = arith.constant 2 : i32
      %add3A_110 = arith.addi %add3A_108, %add3A_109 : i32
      %min3A_111 = arith.constant 39 : i32
      %min3A_112 = arith.minsi %add3A_110, %min3A_111 : i32
      %dma_start3A_113 = arith.constant 0 : i32
      %dma_start3A_114 = tpu.memref_slice %arg7[%min3A_112, %dma_start3A_113] : memref<40x128xi32, #tpu.memory_space<vmem>> -> memref<1x128xi32, #tpu.memory_space<vmem>>
      %dma_start3A_115 = tpu.memref_squeeze %dma_start3A_114 : memref<1x128xi32, #tpu.memory_space<vmem>> -> memref<128xi32, #tpu.memory_space<vmem>>
      %dma_start3A_116 = arith.constant 0 : i32
      %dma_start3A_117 = arith.constant 0 : i32
      %dma_start3A_118 = tpu.memref_slice %arg2[%dma_start3A_116, %dma_start3A_117] : memref<10000x128xf32, #tpu.memory_space<hbm>> -> memref<10000x128xf32, #tpu.memory_space<hbm>>
      tpu.enqueue_indirect_dma source(%dma_start3A_118 : memref<10000x128xf32, #tpu.memory_space<hbm>>) target(%arg11 : memref<128x128xf32, #tpu.memory_space<vmem>>) offsets(%dma_start3A_115 : memref<128xi32, #tpu.memory_space<vmem>>) semaphore(%arg13 : memref<!tpu.dma_semaphore, #tpu.memory_space<semaphore_mem>>)
    }
    %scan3A_51 = arith.constant 20 : i32
    %dma_wait3A_52 = arith.constant 39 : i32
    %dma_wait3A_53 = arith.constant 0 : i32
    %dma_wait3A_54 = tpu.memref_slice %arg7[%dma_wait3A_52, %dma_wait3A_53] : memref<40x128xi32, #tpu.memory_space<vmem>> -> memref<1x128xi32, #tpu.memory_space<vmem>>
    %dma_wait3A_55 = tpu.memref_squeeze %dma_wait3A_54 : memref<1x128xi32, #tpu.memory_space<vmem>> -> memref<128xi32, #tpu.memory_space<vmem>>
    %dma_wait3A_56 = arith.constant 0 : i32
    %dma_wait3A_57 = arith.constant 0 : i32
    %dma_wait3A_58 = tpu.memref_slice %arg2[%dma_wait3A_56, %dma_wait3A_57] : memref<10000x128xf32, #tpu.memory_space<hbm>> -> memref<10000x128xf32, #tpu.memory_space<hbm>>
    tpu.wait_indirect_dma semaphore(%arg12 : memref<!tpu.dma_semaphore, #tpu.memory_space<semaphore_mem>>) src(%dma_wait3A_58 : memref<10000x128xf32, #tpu.memory_space<hbm>>) dst(%arg10 : memref<128x128xf32, #tpu.memory_space<vmem>>)
    %dma_wait3A_59 = arith.constant 39 : i32
    %dma_wait3A_60 = arith.constant 0 : i32
    %dma_wait3A_61 = tpu.memref_slice %arg7[%dma_wait3A_59, %dma_wait3A_60] : memref<40x128xi32, #tpu.memory_space<vmem>> -> memref<1x128xi32, #tpu.memory_space<vmem>>
    %dma_wait3A_62 = tpu.memref_squeeze %dma_wait3A_61 : memref<1x128xi32, #tpu.memory_space<vmem>> -> memref<128xi32, #tpu.memory_space<vmem>>
    %dma_wait3A_63 = arith.constant 0 : i32
    %dma_wait3A_64 = arith.constant 0 : i32
    %dma_wait3A_65 = tpu.memref_slice %arg2[%dma_wait3A_63, %dma_wait3A_64] : memref<10000x128xf32, #tpu.memory_space<hbm>> -> memref<10000x128xf32, #tpu.memory_space<hbm>>
    tpu.wait_indirect_dma semaphore(%arg13 : memref<!tpu.dma_semaphore, #tpu.memory_space<semaphore_mem>>) src(%dma_wait3A_65 : memref<10000x128xf32, #tpu.memory_space<hbm>>) dst(%arg11 : memref<128x128xf32, #tpu.memory_space<vmem>>)
    %barrier3A_66 = arith.constant 0 : index
    tpu.barrier barrier_id(%barrier3A_66)
    %mul3A_67 = arith.constant 640 : i32
    %mul3A_68 = arith.muli %arg1, %mul3A_67 : i32
    %mul3A_69 = arith.constant 640 : i32
    %mul3A_70 = arith.muli %arg1, %mul3A_69 : i32
    "tpu.region"() ({
      %run_scoped3A = tpu.sem_alloc : memref<!tpu.dma_semaphore, #tpu.memory_space<semaphore_mem>>
      %dma_start3A_71 = arith.constant 0 : i32
      %dma_start3A_72 = tpu.memref_slice %arg6[%arg0, %mul3A_70, %dma_start3A_71] : memref<2x10240x128xf32, #tpu.memory_space<hbm>> -> memref<1x640x128xf32, #tpu.memory_space<hbm>>
      %dma_start3A_73 = tpu.memref_squeeze %dma_start3A_72 : memref<1x640x128xf32, #tpu.memory_space<hbm>> -> memref<640x128xf32, #tpu.memory_space<hbm>>
      %dma_start3A_74 = arith.constant 0 : i32
      %dma_start3A_75 = tpu.memref_slice %arg9[%mul3A_68, %dma_start3A_74] : memref<10240x128xf32, #tpu.memory_space<vmem_shared>> -> memref<640x128xf32, #tpu.memory_space<vmem_shared>>
      tpu.enqueue_dma source(%dma_start3A_75 : memref<640x128xf32, #tpu.memory_space<vmem_shared>>) target(%dma_start3A_73 : memref<640x128xf32, #tpu.memory_space<hbm>>) target_semaphore(%run_scoped3A : memref<!tpu.dma_semaphore, #tpu.memory_space<semaphore_mem>>)
      %dma_wait3A_76 = arith.constant 0 : i32
      %dma_wait3A_77 = tpu.memref_slice %arg6[%arg0, %mul3A_70, %dma_wait3A_76] : memref<2x10240x128xf32, #tpu.memory_space<hbm>> -> memref<1x640x128xf32, #tpu.memory_space<hbm>>
      %dma_wait3A_78 = tpu.memref_squeeze %dma_wait3A_77 : memref<1x640x128xf32, #tpu.memory_space<hbm>> -> memref<640x128xf32, #tpu.memory_space<hbm>>
      %dma_wait3A_79 = arith.constant 0 : i32
      %dma_wait3A_80 = tpu.memref_slice %arg9[%mul3A_68, %dma_wait3A_79] : memref<10240x128xf32, #tpu.memory_space<vmem_shared>> -> memref<640x128xf32, #tpu.memory_space<vmem_shared>>
      tpu.wait_dma2 semaphore(%run_scoped3A : memref<!tpu.dma_semaphore, #tpu.memory_space<semaphore_mem>>) src(%dma_wait3A_80 : memref<640x128xf32, #tpu.memory_space<vmem_shared>>) dst(%dma_wait3A_78 : memref<640x128xf32, #tpu.memory_space<hbm>>)
      tpu.yield
    }) : () -> ()
    return
  }
}

#map = affine_map<(d0, d1) -> (0, 0, 0)>
#map1 = affine_map<(d0, d1) -> (0, 0)>
module attributes {stable_mosaic.version = 14 : i64} {
  func.func @k(%arg0: i32, %arg1: i32, %arg2: memref<32x80x128xi32, #tpu.memory_space<hbm>>, %arg3: memref<1x80xi32, #tpu.memory_space<hbm>>, %arg4: memref<640x128xf32, #tpu.memory_space<hbm>>, %arg5: memref<2x80x128xf32, #tpu.memory_space<hbm>>, %arg6: memref<80x128xi32, #tpu.memory_space<vmem>>, %arg7: memref<1x80xi32, #tpu.memory_space<vmem>>, %arg8: memref<80x128xf32, #tpu.memory_space<vmem>>, %arg9: memref<80x128xf32, #tpu.memory_space<vmem_shared>>) attributes {dimension_semantics = [#tpu.dimension_semantics<core_parallel>, #tpu.dimension_semantics<subcore_parallel>], iteration_bounds = array<i64: 2, 16>, scalar_prefetch = 0 : i64, scratch_operands = 4 : i64, tpu.core_type = #tpu.core_type<sc_vector_subcore>, window_params = [{transform_indices = #map}, {transform_indices = #map1}, {transform_indices = #map1}, {transform_indices = #map}]} {
    %mul3A = arith.constant 16 : i32
    %mul3A_0 = arith.muli %arg0, %mul3A : i32
    %add3A = arith.addi %mul3A_0, %arg1 : i32
    %eq3A = arith.constant 0 : i32
    %eq3A_1 = arith.cmpi eq, %arg1, %eq3A : i32
    %convert_element_type3A = arith.extui %eq3A_1 : i1 to i32
    %cond3A = arith.constant 0 : i32
    %cond3A_2 = arith.cmpi ne, %convert_element_type3A, %cond3A : i32
    scf.if %cond3A_2 {
      "tpu.region"() ({
        %run_scoped3A_22 = tpu.sem_alloc : memref<!tpu.dma_semaphore, #tpu.memory_space<semaphore_mem>>
        %dma_start3A = arith.constant 0 : i32
        %dma_start3A_23 = arith.constant 0 : i32
        %dma_start3A_24 = tpu.memref_slice %arg4[%dma_start3A, %dma_start3A_23] : memref<640x128xf32, #tpu.memory_space<hbm>> -> memref<80x128xf32, #tpu.memory_space<hbm>>
        tpu.enqueue_dma source(%dma_start3A_24 : memref<80x128xf32, #tpu.memory_space<hbm>>) target(%arg9 : memref<80x128xf32, #tpu.memory_space<vmem_shared>>) target_semaphore(%run_scoped3A_22 : memref<!tpu.dma_semaphore, #tpu.memory_space<semaphore_mem>>)
        %dma_wait3A = arith.constant 0 : i32
        %dma_wait3A_25 = arith.constant 0 : i32
        %dma_wait3A_26 = tpu.memref_slice %arg4[%dma_wait3A, %dma_wait3A_25] : memref<640x128xf32, #tpu.memory_space<hbm>> -> memref<80x128xf32, #tpu.memory_space<hbm>>
        tpu.wait_dma2 semaphore(%run_scoped3A_22 : memref<!tpu.dma_semaphore, #tpu.memory_space<semaphore_mem>>) src(%dma_wait3A_26 : memref<80x128xf32, #tpu.memory_space<hbm>>) dst(%arg9 : memref<80x128xf32, #tpu.memory_space<vmem_shared>>)
        tpu.yield
      }) : () -> ()
    } else {
    }
    "tpu.region"() ({
      %run_scoped3A_22 = tpu.sem_alloc : memref<!tpu.dma_semaphore, #tpu.memory_space<semaphore_mem>>
      %dma_start3A = arith.constant 0 : i32
      %dma_start3A_23 = arith.constant 0 : i32
      %dma_start3A_24 = tpu.memref_slice %arg2[%add3A, %dma_start3A, %dma_start3A_23] : memref<32x80x128xi32, #tpu.memory_space<hbm>> -> memref<1x80x128xi32, #tpu.memory_space<hbm>>
      %dma_start3A_25 = tpu.memref_squeeze %dma_start3A_24 : memref<1x80x128xi32, #tpu.memory_space<hbm>> -> memref<80x128xi32, #tpu.memory_space<hbm>>
      %dma_start3A_26 = arith.constant 0 : i32
      %dma_start3A_27 = arith.constant 0 : i32
      %dma_start3A_28 = tpu.memref_slice %arg2[%add3A, %dma_start3A_26, %dma_start3A_27] : memref<32x80x128xi32, #tpu.memory_space<hbm>> -> memref<1x80x128xi32, #tpu.memory_space<hbm>>
      %dma_start3A_29 = tpu.memref_squeeze %dma_start3A_28 : memref<1x80x128xi32, #tpu.memory_space<hbm>> -> memref<80x128xi32, #tpu.memory_space<hbm>>
      tpu.enqueue_dma source(%dma_start3A_29 : memref<80x128xi32, #tpu.memory_space<hbm>>) target(%arg6 : memref<80x128xi32, #tpu.memory_space<vmem>>) target_semaphore(%run_scoped3A_22 : memref<!tpu.dma_semaphore, #tpu.memory_space<semaphore_mem>>)
      %dma_wait3A = arith.constant 0 : i32
      %dma_wait3A_30 = arith.constant 0 : i32
      %dma_wait3A_31 = tpu.memref_slice %arg2[%add3A, %dma_wait3A, %dma_wait3A_30] : memref<32x80x128xi32, #tpu.memory_space<hbm>> -> memref<1x80x128xi32, #tpu.memory_space<hbm>>
      %dma_wait3A_32 = tpu.memref_squeeze %dma_wait3A_31 : memref<1x80x128xi32, #tpu.memory_space<hbm>> -> memref<80x128xi32, #tpu.memory_space<hbm>>
      %dma_wait3A_33 = arith.constant 0 : i32
      %dma_wait3A_34 = arith.constant 0 : i32
      %dma_wait3A_35 = tpu.memref_slice %arg2[%add3A, %dma_wait3A_33, %dma_wait3A_34] : memref<32x80x128xi32, #tpu.memory_space<hbm>> -> memref<1x80x128xi32, #tpu.memory_space<hbm>>
      %dma_wait3A_36 = tpu.memref_squeeze %dma_wait3A_35 : memref<1x80x128xi32, #tpu.memory_space<hbm>> -> memref<80x128xi32, #tpu.memory_space<hbm>>
      tpu.wait_dma2 semaphore(%run_scoped3A_22 : memref<!tpu.dma_semaphore, #tpu.memory_space<semaphore_mem>>) src(%dma_wait3A_36 : memref<80x128xi32, #tpu.memory_space<hbm>>) dst(%arg6 : memref<80x128xi32, #tpu.memory_space<vmem>>)
      tpu.yield
    }) : () -> ()
    "tpu.region"() ({
      %run_scoped3A_22 = tpu.sem_alloc : memref<!tpu.dma_semaphore, #tpu.memory_space<semaphore_mem>>
      tpu.enqueue_dma source(%arg3 : memref<1x80xi32, #tpu.memory_space<hbm>>) target(%arg7 : memref<1x80xi32, #tpu.memory_space<vmem>>) target_semaphore(%run_scoped3A_22 : memref<!tpu.dma_semaphore, #tpu.memory_space<semaphore_mem>>)
      tpu.wait_dma2 semaphore(%run_scoped3A_22 : memref<!tpu.dma_semaphore, #tpu.memory_space<semaphore_mem>>) src(%arg3 : memref<1x80xi32, #tpu.memory_space<hbm>>) dst(%arg7 : memref<1x80xi32, #tpu.memory_space<vmem>>)
      tpu.yield
    }) : () -> ()
    %scan3A = arith.constant 0 : i32
    %scan3A_3 = arith.constant 80 : i32
    %scan3A_4 = arith.addi %scan3A, %scan3A_3 : i32
    %scan3A_5 = arith.constant 1 : i32
    scf.for %scan3A_22 = %scan3A to %scan3A_4 step %scan3A_5  : i32 {
      %mul3A_23 = arith.constant 1 : i32
      %mul3A_24 = arith.muli %scan3A_22, %mul3A_23 : i32
      %add3A_25 = arith.constant 0 : i32
      %add3A_26 = arith.addi %add3A_25, %mul3A_24 : i32
      %scan3A_27 = arith.constant 0 : i32
      %scan3A_28 = arith.constant 8 : i32
      %scan3A_29 = arith.addi %scan3A_27, %scan3A_28 : i32
      %scan3A_30 = arith.constant 1 : i32
      scf.for %scan3A_32 = %scan3A_27 to %scan3A_29 step %scan3A_30  : i32 {
        %mul3A_33 = arith.constant 16 : i32
        %mul3A_34 = arith.muli %scan3A_32, %mul3A_33 : i32
        %add3A_35 = arith.constant 0 : i32
        %add3A_36 = arith.addi %add3A_35, %mul3A_34 : i32
        %broadcast_in_dim3A_37 = arith.constant 0.000000e+00 : f32
        %broadcast_in_dim3A_38 = vector.broadcast %broadcast_in_dim3A_37 : f32 to vector<16xf32>
        %swap3A = arith.index_cast %add3A_26 : i32 to index
        %swap3A_39 = arith.index_cast %add3A_36 : i32 to index
        %swap3A_40 = tpu.vector_load %arg8[%swap3A, %swap3A_39] {strides = array<i32>} : memref<80x128xf32, #tpu.memory_space<vmem>>, vector<16xf32>,
        tpu.vector_store %arg8[%swap3A, %swap3A_39], %broadcast_in_dim3A_38 {strides = array<i32>} : memref<80x128xf32, #tpu.memory_space<vmem>>, vector<16xf32>,
      }
      %scan3A_31 = arith.constant 8 : i32
    }
    %scan3A_6 = arith.constant 80 : i32
    %broadcast_in_dim3A = arith.constant 1.000000e+00 : f32
    %broadcast_in_dim3A_7 = vector.broadcast %broadcast_in_dim3A : f32 to vector<16xf32>
    %broadcast_in_dim3A_8 = arith.constant 127 : i32
    %broadcast_in_dim3A_9 = vector.broadcast %broadcast_in_dim3A_8 : i32 to vector<16xi32>
    %broadcast_in_dim3A_10 = arith.constant 7 : i32
    %broadcast_in_dim3A_11 = vector.broadcast %broadcast_in_dim3A_10 : i32 to vector<16xi32>
    %scan3A_12 = arith.constant 0 : i32
    %scan3A_13 = arith.constant 80 : i32
    %scan3A_14 = arith.addi %scan3A_12, %scan3A_13 : i32
    %scan3A_15 = arith.constant 1 : i32
    scf.for %scan3A_22 = %scan3A_12 to %scan3A_14 step %scan3A_15  : i32 {
      %mul3A_23 = arith.constant 1 : i32
      %mul3A_24 = arith.muli %scan3A_22, %mul3A_23 : i32
      %add3A_25 = arith.constant 0 : i32
      %add3A_26 = arith.addi %add3A_25, %mul3A_24 : i32
      %scan3A_27 = arith.constant 0 : i32
      %scan3A_28 = arith.constant 8 : i32
      %scan3A_29 = arith.addi %scan3A_27, %scan3A_28 : i32
      %scan3A_30 = arith.constant 1 : i32
      scf.for %scan3A_32 = %scan3A_27 to %scan3A_29 step %scan3A_30  : i32 {
        %mul3A_33 = arith.constant 16 : i32
        %mul3A_34 = arith.muli %scan3A_32, %mul3A_33 : i32
        %add3A_35 = arith.constant 0 : i32
        %add3A_36 = arith.addi %add3A_35, %mul3A_34 : i32
        %get3A = arith.index_cast %add3A_26 : i32 to index
        %get3A_37 = arith.index_cast %add3A_36 : i32 to index
        %get3A_38 = tpu.vector_load %arg6[%get3A, %get3A_37] {strides = array<i32>} : memref<80x128xi32, #tpu.memory_space<vmem>>, vector<16xi32>,
        %shift_right_logical3A = arith.shrui %get3A_38, %broadcast_in_dim3A_11 : vector<16xi32>
        %and3A = arith.andi %get3A_38, %broadcast_in_dim3A_9 : vector<16xi32>
        tpu.vector_store_idx %arg8[%shift_right_logical3A, %and3A], %broadcast_in_dim3A_7 {add = true} : memref<80x128xf32, #tpu.memory_space<vmem>>[vector<16xi32>, vector<16xi32>], vector<16xf32>,
      }
      %scan3A_31 = arith.constant 8 : i32
    }
    %scan3A_16 = arith.constant 80 : i32
    %barrier3A = arith.constant 0 : index
    tpu.barrier barrier_id(%barrier3A)
    %run_scoped3A = arith.constant 0 : i32
    "tpu.region"() ({
      %run_scoped3A_22 = tpu.sem_alloc : memref<!tpu.dma_semaphore, #tpu.memory_space<semaphore_mem>>
      %dma_start3A = arith.constant 0 : i32
      %dma_start3A_23 = tpu.memref_slice %arg7[%run_scoped3A, %dma_start3A] : memref<1x80xi32, #tpu.memory_space<vmem>> -> memref<1x80xi32, #tpu.memory_space<vmem>>
      %dma_start3A_24 = tpu.memref_squeeze %dma_start3A_23 : memref<1x80xi32, #tpu.memory_space<vmem>> -> memref<80xi32, #tpu.memory_space<vmem>>
      %dma_start3A_25 = arith.constant 0 : i32
      %dma_start3A_26 = arith.constant 0 : i32
      %dma_start3A_27 = tpu.memref_slice %arg9[%dma_start3A_25, %dma_start3A_26] : memref<80x128xf32, #tpu.memory_space<vmem_shared>> -> memref<80x128xf32, #tpu.memory_space<vmem_shared>>
      tpu.enqueue_indirect_dma source(%arg8 : memref<80x128xf32, #tpu.memory_space<vmem>>) target(%dma_start3A_27 : memref<80x128xf32, #tpu.memory_space<vmem_shared>>) offsets(%dma_start3A_24 : memref<80xi32, #tpu.memory_space<vmem>>) semaphore(%run_scoped3A_22 : memref<!tpu.dma_semaphore, #tpu.memory_space<semaphore_mem>>) {add = true}
      %dma_wait3A = arith.constant 0 : i32
      %dma_wait3A_28 = tpu.memref_slice %arg7[%run_scoped3A, %dma_wait3A] : memref<1x80xi32, #tpu.memory_space<vmem>> -> memref<1x80xi32, #tpu.memory_space<vmem>>
      %dma_wait3A_29 = tpu.memref_squeeze %dma_wait3A_28 : memref<1x80xi32, #tpu.memory_space<vmem>> -> memref<80xi32, #tpu.memory_space<vmem>>
      %dma_wait3A_30 = arith.constant 0 : i32
      %dma_wait3A_31 = arith.constant 0 : i32
      %dma_wait3A_32 = tpu.memref_slice %arg9[%dma_wait3A_30, %dma_wait3A_31] : memref<80x128xf32, #tpu.memory_space<vmem_shared>> -> memref<80x128xf32, #tpu.memory_space<vmem_shared>>
      tpu.wait_indirect_dma semaphore(%run_scoped3A_22 : memref<!tpu.dma_semaphore, #tpu.memory_space<semaphore_mem>>) src(%arg8 : memref<80x128xf32, #tpu.memory_space<vmem>>) dst(%dma_wait3A_32 : memref<80x128xf32, #tpu.memory_space<vmem_shared>>)
      tpu.yield
    }) : () -> ()
    %barrier3A_17 = arith.constant 0 : index
    tpu.barrier barrier_id(%barrier3A_17)
    %lt3A = arith.constant 5 : i32
    %lt3A_18 = arith.cmpi slt, %arg1, %lt3A : i32
    %convert_element_type3A_19 = arith.extui %lt3A_18 : i1 to i32
    %cond3A_20 = arith.constant 0 : i32
    %cond3A_21 = arith.cmpi ne, %convert_element_type3A_19, %cond3A_20 : i32
    scf.if %cond3A_21 {
      %mul3A_22 = arith.constant 16 : i32
      %mul3A_23 = arith.muli %arg1, %mul3A_22 : i32
      %mul3A_24 = arith.constant 16 : i32
      %mul3A_25 = arith.muli %arg1, %mul3A_24 : i32
      "tpu.region"() ({
        %run_scoped3A_26 = tpu.sem_alloc : memref<!tpu.dma_semaphore, #tpu.memory_space<semaphore_mem>>
        %dma_start3A = arith.constant 0 : i32
        %dma_start3A_27 = tpu.memref_slice %arg5[%arg0, %mul3A_25, %dma_start3A] : memref<2x80x128xf32, #tpu.memory_space<hbm>> -> memref<1x16x128xf32, #tpu.memory_space<hbm>>
        %dma_start3A_28 = tpu.memref_squeeze %dma_start3A_27 : memref<1x16x128xf32, #tpu.memory_space<hbm>> -> memref<16x128xf32, #tpu.memory_space<hbm>>
        %dma_start3A_29 = arith.constant 0 : i32
        %dma_start3A_30 = tpu.memref_slice %arg9[%mul3A_23, %dma_start3A_29] : memref<80x128xf32, #tpu.memory_space<vmem_shared>> -> memref<16x128xf32, #tpu.memory_space<vmem_shared>>
        tpu.enqueue_dma source(%dma_start3A_30 : memref<16x128xf32, #tpu.memory_space<vmem_shared>>) target(%dma_start3A_28 : memref<16x128xf32, #tpu.memory_space<hbm>>) target_semaphore(%run_scoped3A_26 : memref<!tpu.dma_semaphore, #tpu.memory_space<semaphore_mem>>)
        %dma_wait3A = arith.constant 0 : i32
        %dma_wait3A_31 = tpu.memref_slice %arg5[%arg0, %mul3A_25, %dma_wait3A] : memref<2x80x128xf32, #tpu.memory_space<hbm>> -> memref<1x16x128xf32, #tpu.memory_space<hbm>>
        %dma_wait3A_32 = tpu.memref_squeeze %dma_wait3A_31 : memref<1x16x128xf32, #tpu.memory_space<hbm>> -> memref<16x128xf32, #tpu.memory_space<hbm>>
        %dma_wait3A_33 = arith.constant 0 : i32
        %dma_wait3A_34 = tpu.memref_slice %arg9[%mul3A_23, %dma_wait3A_33] : memref<80x128xf32, #tpu.memory_space<vmem_shared>> -> memref<16x128xf32, #tpu.memory_space<vmem_shared>>
        tpu.wait_dma2 semaphore(%run_scoped3A_26 : memref<!tpu.dma_semaphore, #tpu.memory_space<semaphore_mem>>) src(%dma_wait3A_34 : memref<16x128xf32, #tpu.memory_space<vmem_shared>>) dst(%dma_wait3A_32 : memref<16x128xf32, #tpu.memory_space<hbm>>)
        tpu.yield
      }) : () -> ()
    } else {
    }
    return
  }
}

#map = affine_map<(d0, d1) -> (0, 0)>
#map1 = affine_map<(d0, d1) -> (0, 0, 0)>
module attributes {stable_mosaic.version = 14 : i64} {
  func.func @k(%arg0: i32, %arg1: i32, %arg2: memref<10000x128xf32, #tpu.memory_space<hbm>>, %arg3: memref<32x80x128xi32, #tpu.memory_space<hbm>>, %arg4: memref<32x80x128xi32, #tpu.memory_space<hbm>>, %arg5: memref<640x128xf32, #tpu.memory_space<hbm>>, %arg6: memref<2x10240x128xf32, #tpu.memory_space<hbm>>, %arg7: memref<40x128xi32, #tpu.memory_space<vmem>>, %arg8: memref<40x128xi32, #tpu.memory_space<vmem>>, %arg9: memref<10240x128xf32, #tpu.memory_space<vmem_shared>>, %arg10: memref<128x128xf32, #tpu.memory_space<vmem>>, %arg11: memref<128x128xf32, #tpu.memory_space<vmem>>, %arg12: memref<!tpu.dma_semaphore, #tpu.memory_space<semaphore_mem>>, %arg13: memref<!tpu.dma_semaphore, #tpu.memory_space<semaphore_mem>>) attributes {dimension_semantics = [#tpu.dimension_semantics<core_parallel>, #tpu.dimension_semantics<subcore_parallel>], iteration_bounds = array<i64: 2, 16>, scalar_prefetch = 0 : i64, scratch_operands = 7 : i64, tpu.core_type = #tpu.core_type<sc_vector_subcore>, window_params = [{transform_indices = #map}, {transform_indices = #map1}, {transform_indices = #map1}, {transform_indices = #map}, {transform_indices = #map1}]} {
    %mul3A = arith.constant 16 : i32
    %mul3A_0 = arith.muli %arg0, %mul3A : i32
    %add3A = arith.addi %mul3A_0, %arg1 : i32
    %mul3A_1 = arith.constant 640 : i32
    %mul3A_2 = arith.muli %arg1, %mul3A_1 : i32
    "tpu.region"() ({
      %run_scoped3A = tpu.sem_alloc : memref<!tpu.dma_semaphore, #tpu.memory_space<semaphore_mem>>
      %dma_start3A_71 = arith.constant 0 : i32
      %dma_start3A_72 = tpu.memref_slice %arg9[%mul3A_2, %dma_start3A_71] : memref<10240x128xf32, #tpu.memory_space<vmem_shared>> -> memref<640x128xf32, #tpu.memory_space<vmem_shared>>
      tpu.enqueue_dma source(%arg5 : memref<640x128xf32, #tpu.memory_space<hbm>>) target(%dma_start3A_72 : memref<640x128xf32, #tpu.memory_space<vmem_shared>>) target_semaphore(%run_scoped3A : memref<!tpu.dma_semaphore, #tpu.memory_space<semaphore_mem>>)
      %dma_wait3A_73 = arith.constant 0 : i32
      %dma_wait3A_74 = tpu.memref_slice %arg9[%mul3A_2, %dma_wait3A_73] : memref<10240x128xf32, #tpu.memory_space<vmem_shared>> -> memref<640x128xf32, #tpu.memory_space<vmem_shared>>
      tpu.wait_dma2 semaphore(%run_scoped3A : memref<!tpu.dma_semaphore, #tpu.memory_space<semaphore_mem>>) src(%arg5 : memref<640x128xf32, #tpu.memory_space<hbm>>) dst(%dma_wait3A_74 : memref<640x128xf32, #tpu.memory_space<vmem_shared>>)
      tpu.yield
    }) : () -> ()
    %barrier3A = arith.constant 0 : index
    tpu.barrier barrier_id(%barrier3A)
    "tpu.region"() ({
      %run_scoped3A = tpu.sem_alloc : memref<!tpu.dma_semaphore, #tpu.memory_space<semaphore_mem>>
      %dma_start3A_71 = arith.constant 0 : i32
      %dma_start3A_72 = arith.constant 0 : i32
      %dma_start3A_73 = tpu.memref_slice %arg3[%add3A, %dma_start3A_71, %dma_start3A_72] : memref<32x80x128xi32, #tpu.memory_space<hbm>> -> memref<1x40x128xi32, #tpu.memory_space<hbm>>
      %dma_start3A_74 = tpu.memref_squeeze %dma_start3A_73 : memref<1x40x128xi32, #tpu.memory_space<hbm>> -> memref<40x128xi32, #tpu.memory_space<hbm>>
      %dma_start3A_75 = arith.constant 0 : i32
      %dma_start3A_76 = arith.constant 0 : i32
      %dma_start3A_77 = tpu.memref_slice %arg3[%add3A, %dma_start3A_75, %dma_start3A_76] : memref<32x80x128xi32, #tpu.memory_space<hbm>> -> memref<1x40x128xi32, #tpu.memory_space<hbm>>
      %dma_start3A_78 = tpu.memref_squeeze %dma_start3A_77 : memref<1x40x128xi32, #tpu.memory_space<hbm>> -> memref<40x128xi32, #tpu.memory_space<hbm>>
      tpu.enqueue_dma source(%dma_start3A_78 : memref<40x128xi32, #tpu.memory_space<hbm>>) target(%arg7 : memref<40x128xi32, #tpu.memory_space<vmem>>) target_semaphore(%run_scoped3A : memref<!tpu.dma_semaphore, #tpu.memory_space<semaphore_mem>>)
      %dma_wait3A_79 = arith.constant 0 : i32
      %dma_wait3A_80 = arith.constant 0 : i32
      %dma_wait3A_81 = tpu.memref_slice %arg3[%add3A, %dma_wait3A_79, %dma_wait3A_80] : memref<32x80x128xi32, #tpu.memory_space<hbm>> -> memref<1x40x128xi32, #tpu.memory_space<hbm>>
      %dma_wait3A_82 = tpu.memref_squeeze %dma_wait3A_81 : memref<1x40x128xi32, #tpu.memory_space<hbm>> -> memref<40x128xi32, #tpu.memory_space<hbm>>
      %dma_wait3A_83 = arith.constant 0 : i32
      %dma_wait3A_84 = arith.constant 0 : i32
      %dma_wait3A_85 = tpu.memref_slice %arg3[%add3A, %dma_wait3A_83, %dma_wait3A_84] : memref<32x80x128xi32, #tpu.memory_space<hbm>> -> memref<1x40x128xi32, #tpu.memory_space<hbm>>
      %dma_wait3A_86 = tpu.memref_squeeze %dma_wait3A_85 : memref<1x40x128xi32, #tpu.memory_space<hbm>> -> memref<40x128xi32, #tpu.memory_space<hbm>>
      tpu.wait_dma2 semaphore(%run_scoped3A : memref<!tpu.dma_semaphore, #tpu.memory_space<semaphore_mem>>) src(%dma_wait3A_86 : memref<40x128xi32, #tpu.memory_space<hbm>>) dst(%arg7 : memref<40x128xi32, #tpu.memory_space<vmem>>)
      tpu.yield
    }) : () -> ()
    "tpu.region"() ({
      %run_scoped3A = tpu.sem_alloc : memref<!tpu.dma_semaphore, #tpu.memory_space<semaphore_mem>>
      %dma_start3A_71 = arith.constant 0 : i32
      %dma_start3A_72 = arith.constant 0 : i32
      %dma_start3A_73 = tpu.memref_slice %arg4[%add3A, %dma_start3A_71, %dma_start3A_72] : memref<32x80x128xi32, #tpu.memory_space<hbm>> -> memref<1x40x128xi32, #tpu.memory_space<hbm>>
      %dma_start3A_74 = tpu.memref_squeeze %dma_start3A_73 : memref<1x40x128xi32, #tpu.memory_space<hbm>> -> memref<40x128xi32, #tpu.memory_space<hbm>>
      %dma_start3A_75 = arith.constant 0 : i32
      %dma_start3A_76 = arith.constant 0 : i32
      %dma_start3A_77 = tpu.memref_slice %arg4[%add3A, %dma_start3A_75, %dma_start3A_76] : memref<32x80x128xi32, #tpu.memory_space<hbm>> -> memref<1x40x128xi32, #tpu.memory_space<hbm>>
      %dma_start3A_78 = tpu.memref_squeeze %dma_start3A_77 : memref<1x40x128xi32, #tpu.memory_space<hbm>> -> memref<40x128xi32, #tpu.memory_space<hbm>>
      tpu.enqueue_dma source(%dma_start3A_78 : memref<40x128xi32, #tpu.memory_space<hbm>>) target(%arg8 : memref<40x128xi32, #tpu.memory_space<vmem>>) target_semaphore(%run_scoped3A : memref<!tpu.dma_semaphore, #tpu.memory_space<semaphore_mem>>)
      %dma_wait3A_79 = arith.constant 0 : i32
      %dma_wait3A_80 = arith.constant 0 : i32
      %dma_wait3A_81 = tpu.memref_slice %arg4[%add3A, %dma_wait3A_79, %dma_wait3A_80] : memref<32x80x128xi32, #tpu.memory_space<hbm>> -> memref<1x40x128xi32, #tpu.memory_space<hbm>>
      %dma_wait3A_82 = tpu.memref_squeeze %dma_wait3A_81 : memref<1x40x128xi32, #tpu.memory_space<hbm>> -> memref<40x128xi32, #tpu.memory_space<hbm>>
      %dma_wait3A_83 = arith.constant 0 : i32
      %dma_wait3A_84 = arith.constant 0 : i32
      %dma_wait3A_85 = tpu.memref_slice %arg4[%add3A, %dma_wait3A_83, %dma_wait3A_84] : memref<32x80x128xi32, #tpu.memory_space<hbm>> -> memref<1x40x128xi32, #tpu.memory_space<hbm>>
      %dma_wait3A_86 = tpu.memref_squeeze %dma_wait3A_85 : memref<1x40x128xi32, #tpu.memory_space<hbm>> -> memref<40x128xi32, #tpu.memory_space<hbm>>
      tpu.wait_dma2 semaphore(%run_scoped3A : memref<!tpu.dma_semaphore, #tpu.memory_space<semaphore_mem>>) src(%dma_wait3A_86 : memref<40x128xi32, #tpu.memory_space<hbm>>) dst(%arg8 : memref<40x128xi32, #tpu.memory_space<vmem>>)
      tpu.yield
    }) : () -> ()
    %dma_start3A = arith.constant 0 : i32
    %dma_start3A_3 = arith.constant 0 : i32
    %dma_start3A_4 = tpu.memref_slice %arg7[%dma_start3A, %dma_start3A_3] : memref<40x128xi32, #tpu.memory_space<vmem>> -> memref<1x128xi32, #tpu.memory_space<vmem>>
    %dma_start3A_5 = tpu.memref_squeeze %dma_start3A_4 : memref<1x128xi32, #tpu.memory_space<vmem>> -> memref<128xi32, #tpu.memory_space<vmem>>
    %dma_start3A_6 = arith.constant 0 : i32
    %dma_start3A_7 = arith.constant 0 : i32
    %dma_start3A_8 = tpu.memref_slice %arg2[%dma_start3A_6, %dma_start3A_7] : memref<10000x128xf32, #tpu.memory_space<hbm>> -> memref<10000x128xf32, #tpu.memory_space<hbm>>
    tpu.enqueue_indirect_dma source(%dma_start3A_8 : memref<10000x128xf32, #tpu.memory_space<hbm>>) target(%arg10 : memref<128x128xf32, #tpu.memory_space<vmem>>) offsets(%dma_start3A_5 : memref<128xi32, #tpu.memory_space<vmem>>) semaphore(%arg12 : memref<!tpu.dma_semaphore, #tpu.memory_space<semaphore_mem>>)
    %dma_start3A_9 = arith.constant 1 : i32
    %dma_start3A_10 = arith.constant 0 : i32
    %dma_start3A_11 = tpu.memref_slice %arg7[%dma_start3A_9, %dma_start3A_10] : memref<40x128xi32, #tpu.memory_space<vmem>> -> memref<1x128xi32, #tpu.memory_space<vmem>>
    %dma_start3A_12 = tpu.memref_squeeze %dma_start3A_11 : memref<1x128xi32, #tpu.memory_space<vmem>> -> memref<128xi32, #tpu.memory_space<vmem>>
    %dma_start3A_13 = arith.constant 0 : i32
    %dma_start3A_14 = arith.constant 0 : i32
    %dma_start3A_15 = tpu.memref_slice %arg2[%dma_start3A_13, %dma_start3A_14] : memref<10000x128xf32, #tpu.memory_space<hbm>> -> memref<10000x128xf32, #tpu.memory_space<hbm>>
    tpu.enqueue_indirect_dma source(%dma_start3A_15 : memref<10000x128xf32, #tpu.memory_space<hbm>>) target(%arg11 : memref<128x128xf32, #tpu.memory_space<vmem>>) offsets(%dma_start3A_12 : memref<128xi32, #tpu.memory_space<vmem>>) semaphore(%arg13 : memref<!tpu.dma_semaphore, #tpu.memory_space<semaphore_mem>>)
    %scan3A = arith.constant 0 : i32
    %scan3A_16 = arith.constant 20 : i32
    %scan3A_17 = arith.addi %scan3A, %scan3A_16 : i32
    %scan3A_18 = arith.constant 1 : i32
    scf.for %scan3A_71 = %scan3A to %scan3A_17 step %scan3A_18  : i32 {
      %mul3A_72 = arith.constant 2 : i32
      %mul3A_73 = arith.muli %scan3A_71, %mul3A_72 : i32
      %add3A_74 = arith.constant 0 : i32
      %add3A_75 = arith.addi %add3A_74, %mul3A_73 : i32
      %add3A_76 = arith.constant 0 : i32
      %add3A_77 = arith.addi %add3A_75, %add3A_76 : i32
      %dma_wait3A_78 = arith.constant 0 : i32
      %dma_wait3A_79 = tpu.memref_slice %arg7[%add3A_77, %dma_wait3A_78] : memref<40x128xi32, #tpu.memory_space<vmem>> -> memref<1x128xi32, #tpu.memory_space<vmem>>
      %dma_wait3A_80 = tpu.memref_squeeze %dma_wait3A_79 : memref<1x128xi32, #tpu.memory_space<vmem>> -> memref<128xi32, #tpu.memory_space<vmem>>
      %dma_wait3A_81 = arith.constant 0 : i32
      %dma_wait3A_82 = arith.constant 0 : i32
      %dma_wait3A_83 = tpu.memref_slice %arg2[%dma_wait3A_81, %dma_wait3A_82] : memref<10000x128xf32, #tpu.memory_space<hbm>> -> memref<10000x128xf32, #tpu.memory_space<hbm>>
      tpu.wait_indirect_dma semaphore(%arg12 : memref<!tpu.dma_semaphore, #tpu.memory_space<semaphore_mem>>) src(%dma_wait3A_83 : memref<10000x128xf32, #tpu.memory_space<hbm>>) dst(%arg10 : memref<128x128xf32, #tpu.memory_space<vmem>>)
      %add3A_84 = arith.constant 0 : i32
      %add3A_85 = arith.addi %add3A_75, %add3A_84 : i32
      "tpu.region"() ({
        %run_scoped3A = tpu.sem_alloc : memref<!tpu.dma_semaphore, #tpu.memory_space<semaphore_mem>>
        %dma_start3A_119 = arith.constant 0 : i32
        %dma_start3A_120 = tpu.memref_slice %arg8[%add3A_85, %dma_start3A_119] : memref<40x128xi32, #tpu.memory_space<vmem>> -> memref<1x128xi32, #tpu.memory_space<vmem>>
        %dma_start3A_121 = tpu.memref_squeeze %dma_start3A_120 : memref<1x128xi32, #tpu.memory_space<vmem>> -> memref<128xi32, #tpu.memory_space<vmem>>
        %dma_start3A_122 = arith.constant 0 : i32
        %dma_start3A_123 = arith.constant 0 : i32
        %dma_start3A_124 = tpu.memref_slice %arg9[%dma_start3A_122, %dma_start3A_123] : memref<10240x128xf32, #tpu.memory_space<vmem_shared>> -> memref<10240x128xf32, #tpu.memory_space<vmem_shared>>
        tpu.enqueue_indirect_dma source(%arg10 : memref<128x128xf32, #tpu.memory_space<vmem>>) target(%dma_start3A_124 : memref<10240x128xf32, #tpu.memory_space<vmem_shared>>) offsets(%dma_start3A_121 : memref<128xi32, #tpu.memory_space<vmem>>) semaphore(%run_scoped3A : memref<!tpu.dma_semaphore, #tpu.memory_space<semaphore_mem>>) {add = true}
        %dma_wait3A_125 = arith.constant 0 : i32
        %dma_wait3A_126 = tpu.memref_slice %arg8[%add3A_85, %dma_wait3A_125] : memref<40x128xi32, #tpu.memory_space<vmem>> -> memref<1x128xi32, #tpu.memory_space<vmem>>
        %dma_wait3A_127 = tpu.memref_squeeze %dma_wait3A_126 : memref<1x128xi32, #tpu.memory_space<vmem>> -> memref<128xi32, #tpu.memory_space<vmem>>
        %dma_wait3A_128 = arith.constant 0 : i32
        %dma_wait3A_129 = arith.constant 0 : i32
        %dma_wait3A_130 = tpu.memref_slice %arg9[%dma_wait3A_128, %dma_wait3A_129] : memref<10240x128xf32, #tpu.memory_space<vmem_shared>> -> memref<10240x128xf32, #tpu.memory_space<vmem_shared>>
        tpu.wait_indirect_dma semaphore(%run_scoped3A : memref<!tpu.dma_semaphore, #tpu.memory_space<semaphore_mem>>) src(%arg10 : memref<128x128xf32, #tpu.memory_space<vmem>>) dst(%dma_wait3A_130 : memref<10240x128xf32, #tpu.memory_space<vmem_shared>>)
        tpu.yield
      }) : () -> ()
      %add3A_86 = arith.constant 0 : i32
      %add3A_87 = arith.addi %add3A_75, %add3A_86 : i32
      %add3A_88 = arith.constant 2 : i32
      %add3A_89 = arith.addi %add3A_87, %add3A_88 : i32
      %min3A = arith.constant 39 : i32
      %min3A_90 = arith.minsi %add3A_89, %min3A : i32
      %dma_start3A_91 = arith.constant 0 : i32
      %dma_start3A_92 = tpu.memref_slice %arg7[%min3A_90, %dma_start3A_91] : memref<40x128xi32, #tpu.memory_space<vmem>> -> memref<1x128xi32, #tpu.memory_space<vmem>>
      %dma_start3A_93 = tpu.memref_squeeze %dma_start3A_92 : memref<1x128xi32, #tpu.memory_space<vmem>> -> memref<128xi32, #tpu.memory_space<vmem>>
      %dma_start3A_94 = arith.constant 0 : i32
      %dma_start3A_95 = arith.constant 0 : i32
      %dma_start3A_96 = tpu.memref_slice %arg2[%dma_start3A_94, %dma_start3A_95] : memref<10000x128xf32, #tpu.memory_space<hbm>> -> memref<10000x128xf32, #tpu.memory_space<hbm>>
      tpu.enqueue_indirect_dma source(%dma_start3A_96 : memref<10000x128xf32, #tpu.memory_space<hbm>>) target(%arg10 : memref<128x128xf32, #tpu.memory_space<vmem>>) offsets(%dma_start3A_93 : memref<128xi32, #tpu.memory_space<vmem>>) semaphore(%arg12 : memref<!tpu.dma_semaphore, #tpu.memory_space<semaphore_mem>>)
      %add3A_97 = arith.constant 1 : i32
      %add3A_98 = arith.addi %add3A_75, %add3A_97 : i32
      %dma_wait3A_99 = arith.constant 0 : i32
      %dma_wait3A_100 = tpu.memref_slice %arg7[%add3A_98, %dma_wait3A_99] : memref<40x128xi32, #tpu.memory_space<vmem>> -> memref<1x128xi32, #tpu.memory_space<vmem>>
      %dma_wait3A_101 = tpu.memref_squeeze %dma_wait3A_100 : memref<1x128xi32, #tpu.memory_space<vmem>> -> memref<128xi32, #tpu.memory_space<vmem>>
      %dma_wait3A_102 = arith.constant 0 : i32
      %dma_wait3A_103 = arith.constant 0 : i32
      %dma_wait3A_104 = tpu.memref_slice %arg2[%dma_wait3A_102, %dma_wait3A_103] : memref<10000x128xf32, #tpu.memory_space<hbm>> -> memref<10000x128xf32, #tpu.memory_space<hbm>>
      tpu.wait_indirect_dma semaphore(%arg13 : memref<!tpu.dma_semaphore, #tpu.memory_space<semaphore_mem>>) src(%dma_wait3A_104 : memref<10000x128xf32, #tpu.memory_space<hbm>>) dst(%arg11 : memref<128x128xf32, #tpu.memory_space<vmem>>)
      %add3A_105 = arith.constant 1 : i32
      %add3A_106 = arith.addi %add3A_75, %add3A_105 : i32
      "tpu.region"() ({
        %run_scoped3A = tpu.sem_alloc : memref<!tpu.dma_semaphore, #tpu.memory_space<semaphore_mem>>
        %dma_start3A_119 = arith.constant 0 : i32
        %dma_start3A_120 = tpu.memref_slice %arg8[%add3A_106, %dma_start3A_119] : memref<40x128xi32, #tpu.memory_space<vmem>> -> memref<1x128xi32, #tpu.memory_space<vmem>>
        %dma_start3A_121 = tpu.memref_squeeze %dma_start3A_120 : memref<1x128xi32, #tpu.memory_space<vmem>> -> memref<128xi32, #tpu.memory_space<vmem>>
        %dma_start3A_122 = arith.constant 0 : i32
        %dma_start3A_123 = arith.constant 0 : i32
        %dma_start3A_124 = tpu.memref_slice %arg9[%dma_start3A_122, %dma_start3A_123] : memref<10240x128xf32, #tpu.memory_space<vmem_shared>> -> memref<10240x128xf32, #tpu.memory_space<vmem_shared>>
        tpu.enqueue_indirect_dma source(%arg11 : memref<128x128xf32, #tpu.memory_space<vmem>>) target(%dma_start3A_124 : memref<10240x128xf32, #tpu.memory_space<vmem_shared>>) offsets(%dma_start3A_121 : memref<128xi32, #tpu.memory_space<vmem>>) semaphore(%run_scoped3A : memref<!tpu.dma_semaphore, #tpu.memory_space<semaphore_mem>>) {add = true}
        %dma_wait3A_125 = arith.constant 0 : i32
        %dma_wait3A_126 = tpu.memref_slice %arg8[%add3A_106, %dma_wait3A_125] : memref<40x128xi32, #tpu.memory_space<vmem>> -> memref<1x128xi32, #tpu.memory_space<vmem>>
        %dma_wait3A_127 = tpu.memref_squeeze %dma_wait3A_126 : memref<1x128xi32, #tpu.memory_space<vmem>> -> memref<128xi32, #tpu.memory_space<vmem>>
        %dma_wait3A_128 = arith.constant 0 : i32
        %dma_wait3A_129 = arith.constant 0 : i32
        %dma_wait3A_130 = tpu.memref_slice %arg9[%dma_wait3A_128, %dma_wait3A_129] : memref<10240x128xf32, #tpu.memory_space<vmem_shared>> -> memref<10240x128xf32, #tpu.memory_space<vmem_shared>>
        tpu.wait_indirect_dma semaphore(%run_scoped3A : memref<!tpu.dma_semaphore, #tpu.memory_space<semaphore_mem>>) src(%arg11 : memref<128x128xf32, #tpu.memory_space<vmem>>) dst(%dma_wait3A_130 : memref<10240x128xf32, #tpu.memory_space<vmem_shared>>)
        tpu.yield
      }) : () -> ()
      %add3A_107 = arith.constant 1 : i32
      %add3A_108 = arith.addi %add3A_75, %add3A_107 : i32
      %add3A_109 = arith.constant 2 : i32
      %add3A_110 = arith.addi %add3A_108, %add3A_109 : i32
      %min3A_111 = arith.constant 39 : i32
      %min3A_112 = arith.minsi %add3A_110, %min3A_111 : i32
      %dma_start3A_113 = arith.constant 0 : i32
      %dma_start3A_114 = tpu.memref_slice %arg7[%min3A_112, %dma_start3A_113] : memref<40x128xi32, #tpu.memory_space<vmem>> -> memref<1x128xi32, #tpu.memory_space<vmem>>
      %dma_start3A_115 = tpu.memref_squeeze %dma_start3A_114 : memref<1x128xi32, #tpu.memory_space<vmem>> -> memref<128xi32, #tpu.memory_space<vmem>>
      %dma_start3A_116 = arith.constant 0 : i32
      %dma_start3A_117 = arith.constant 0 : i32
      %dma_start3A_118 = tpu.memref_slice %arg2[%dma_start3A_116, %dma_start3A_117] : memref<10000x128xf32, #tpu.memory_space<hbm>> -> memref<10000x128xf32, #tpu.memory_space<hbm>>
      tpu.enqueue_indirect_dma source(%dma_start3A_118 : memref<10000x128xf32, #tpu.memory_space<hbm>>) target(%arg11 : memref<128x128xf32, #tpu.memory_space<vmem>>) offsets(%dma_start3A_115 : memref<128xi32, #tpu.memory_space<vmem>>) semaphore(%arg13 : memref<!tpu.dma_semaphore, #tpu.memory_space<semaphore_mem>>)
    }
    %scan3A_19 = arith.constant 20 : i32
    %dma_wait3A = arith.constant 39 : i32
    %dma_wait3A_20 = arith.constant 0 : i32
    %dma_wait3A_21 = tpu.memref_slice %arg7[%dma_wait3A, %dma_wait3A_20] : memref<40x128xi32, #tpu.memory_space<vmem>> -> memref<1x128xi32, #tpu.memory_space<vmem>>
    %dma_wait3A_22 = tpu.memref_squeeze %dma_wait3A_21 : memref<1x128xi32, #tpu.memory_space<vmem>> -> memref<128xi32, #tpu.memory_space<vmem>>
    %dma_wait3A_23 = arith.constant 0 : i32
    %dma_wait3A_24 = arith.constant 0 : i32
    %dma_wait3A_25 = tpu.memref_slice %arg2[%dma_wait3A_23, %dma_wait3A_24] : memref<10000x128xf32, #tpu.memory_space<hbm>> -> memref<10000x128xf32, #tpu.memory_space<hbm>>
    tpu.wait_indirect_dma semaphore(%arg12 : memref<!tpu.dma_semaphore, #tpu.memory_space<semaphore_mem>>) src(%dma_wait3A_25 : memref<10000x128xf32, #tpu.memory_space<hbm>>) dst(%arg10 : memref<128x128xf32, #tpu.memory_space<vmem>>)
    %dma_wait3A_26 = arith.constant 39 : i32
    %dma_wait3A_27 = arith.constant 0 : i32
    %dma_wait3A_28 = tpu.memref_slice %arg7[%dma_wait3A_26, %dma_wait3A_27] : memref<40x128xi32, #tpu.memory_space<vmem>> -> memref<1x128xi32, #tpu.memory_space<vmem>>
    %dma_wait3A_29 = tpu.memref_squeeze %dma_wait3A_28 : memref<1x128xi32, #tpu.memory_space<vmem>> -> memref<128xi32, #tpu.memory_space<vmem>>
    %dma_wait3A_30 = arith.constant 0 : i32
    %dma_wait3A_31 = arith.constant 0 : i32
    %dma_wait3A_32 = tpu.memref_slice %arg2[%dma_wait3A_30, %dma_wait3A_31] : memref<10000x128xf32, #tpu.memory_space<hbm>> -> memref<10000x128xf32, #tpu.memory_space<hbm>>
    tpu.wait_indirect_dma semaphore(%arg13 : memref<!tpu.dma_semaphore, #tpu.memory_space<semaphore_mem>>) src(%dma_wait3A_32 : memref<10000x128xf32, #tpu.memory_space<hbm>>) dst(%arg11 : memref<128x128xf32, #tpu.memory_space<vmem>>)
    "tpu.region"() ({
      %run_scoped3A = tpu.sem_alloc : memref<!tpu.dma_semaphore, #tpu.memory_space<semaphore_mem>>
      %dma_start3A_71 = arith.constant 40 : i32
      %dma_start3A_72 = arith.constant 0 : i32
      %dma_start3A_73 = tpu.memref_slice %arg3[%add3A, %dma_start3A_71, %dma_start3A_72] : memref<32x80x128xi32, #tpu.memory_space<hbm>> -> memref<1x40x128xi32, #tpu.memory_space<hbm>>
      %dma_start3A_74 = tpu.memref_squeeze %dma_start3A_73 : memref<1x40x128xi32, #tpu.memory_space<hbm>> -> memref<40x128xi32, #tpu.memory_space<hbm>>
      %dma_start3A_75 = arith.constant 40 : i32
      %dma_start3A_76 = arith.constant 0 : i32
      %dma_start3A_77 = tpu.memref_slice %arg3[%add3A, %dma_start3A_75, %dma_start3A_76] : memref<32x80x128xi32, #tpu.memory_space<hbm>> -> memref<1x40x128xi32, #tpu.memory_space<hbm>>
      %dma_start3A_78 = tpu.memref_squeeze %dma_start3A_77 : memref<1x40x128xi32, #tpu.memory_space<hbm>> -> memref<40x128xi32, #tpu.memory_space<hbm>>
      tpu.enqueue_dma source(%dma_start3A_78 : memref<40x128xi32, #tpu.memory_space<hbm>>) target(%arg7 : memref<40x128xi32, #tpu.memory_space<vmem>>) target_semaphore(%run_scoped3A : memref<!tpu.dma_semaphore, #tpu.memory_space<semaphore_mem>>)
      %dma_wait3A_79 = arith.constant 40 : i32
      %dma_wait3A_80 = arith.constant 0 : i32
      %dma_wait3A_81 = tpu.memref_slice %arg3[%add3A, %dma_wait3A_79, %dma_wait3A_80] : memref<32x80x128xi32, #tpu.memory_space<hbm>> -> memref<1x40x128xi32, #tpu.memory_space<hbm>>
      %dma_wait3A_82 = tpu.memref_squeeze %dma_wait3A_81 : memref<1x40x128xi32, #tpu.memory_space<hbm>> -> memref<40x128xi32, #tpu.memory_space<hbm>>
      %dma_wait3A_83 = arith.constant 40 : i32
      %dma_wait3A_84 = arith.constant 0 : i32
      %dma_wait3A_85 = tpu.memref_slice %arg3[%add3A, %dma_wait3A_83, %dma_wait3A_84] : memref<32x80x128xi32, #tpu.memory_space<hbm>> -> memref<1x40x128xi32, #tpu.memory_space<hbm>>
      %dma_wait3A_86 = tpu.memref_squeeze %dma_wait3A_85 : memref<1x40x128xi32, #tpu.memory_space<hbm>> -> memref<40x128xi32, #tpu.memory_space<hbm>>
      tpu.wait_dma2 semaphore(%run_scoped3A : memref<!tpu.dma_semaphore, #tpu.memory_space<semaphore_mem>>) src(%dma_wait3A_86 : memref<40x128xi32, #tpu.memory_space<hbm>>) dst(%arg7 : memref<40x128xi32, #tpu.memory_space<vmem>>)
      tpu.yield
    }) : () -> ()
    "tpu.region"() ({
      %run_scoped3A = tpu.sem_alloc : memref<!tpu.dma_semaphore, #tpu.memory_space<semaphore_mem>>
      %dma_start3A_71 = arith.constant 40 : i32
      %dma_start3A_72 = arith.constant 0 : i32
      %dma_start3A_73 = tpu.memref_slice %arg4[%add3A, %dma_start3A_71, %dma_start3A_72] : memref<32x80x128xi32, #tpu.memory_space<hbm>> -> memref<1x40x128xi32, #tpu.memory_space<hbm>>
      %dma_start3A_74 = tpu.memref_squeeze %dma_start3A_73 : memref<1x40x128xi32, #tpu.memory_space<hbm>> -> memref<40x128xi32, #tpu.memory_space<hbm>>
      %dma_start3A_75 = arith.constant 40 : i32
      %dma_start3A_76 = arith.constant 0 : i32
      %dma_start3A_77 = tpu.memref_slice %arg4[%add3A, %dma_start3A_75, %dma_start3A_76] : memref<32x80x128xi32, #tpu.memory_space<hbm>> -> memref<1x40x128xi32, #tpu.memory_space<hbm>>
      %dma_start3A_78 = tpu.memref_squeeze %dma_start3A_77 : memref<1x40x128xi32, #tpu.memory_space<hbm>> -> memref<40x128xi32, #tpu.memory_space<hbm>>
      tpu.enqueue_dma source(%dma_start3A_78 : memref<40x128xi32, #tpu.memory_space<hbm>>) target(%arg8 : memref<40x128xi32, #tpu.memory_space<vmem>>) target_semaphore(%run_scoped3A : memref<!tpu.dma_semaphore, #tpu.memory_space<semaphore_mem>>)
      %dma_wait3A_79 = arith.constant 40 : i32
      %dma_wait3A_80 = arith.constant 0 : i32
      %dma_wait3A_81 = tpu.memref_slice %arg4[%add3A, %dma_wait3A_79, %dma_wait3A_80] : memref<32x80x128xi32, #tpu.memory_space<hbm>> -> memref<1x40x128xi32, #tpu.memory_space<hbm>>
      %dma_wait3A_82 = tpu.memref_squeeze %dma_wait3A_81 : memref<1x40x128xi32, #tpu.memory_space<hbm>> -> memref<40x128xi32, #tpu.memory_space<hbm>>
      %dma_wait3A_83 = arith.constant 40 : i32
      %dma_wait3A_84 = arith.constant 0 : i32
      %dma_wait3A_85 = tpu.memref_slice %arg4[%add3A, %dma_wait3A_83, %dma_wait3A_84] : memref<32x80x128xi32, #tpu.memory_space<hbm>> -> memref<1x40x128xi32, #tpu.memory_space<hbm>>
      %dma_wait3A_86 = tpu.memref_squeeze %dma_wait3A_85 : memref<1x40x128xi32, #tpu.memory_space<hbm>> -> memref<40x128xi32, #tpu.memory_space<hbm>>
      tpu.wait_dma2 semaphore(%run_scoped3A : memref<!tpu.dma_semaphore, #tpu.memory_space<semaphore_mem>>) src(%dma_wait3A_86 : memref<40x128xi32, #tpu.memory_space<hbm>>) dst(%arg8 : memref<40x128xi32, #tpu.memory_space<vmem>>)
      tpu.yield
    }) : () -> ()
    %dma_start3A_33 = arith.constant 0 : i32
    %dma_start3A_34 = arith.constant 0 : i32
    %dma_start3A_35 = tpu.memref_slice %arg7[%dma_start3A_33, %dma_start3A_34] : memref<40x128xi32, #tpu.memory_space<vmem>> -> memref<1x128xi32, #tpu.memory_space<vmem>>
    %dma_start3A_36 = tpu.memref_squeeze %dma_start3A_35 : memref<1x128xi32, #tpu.memory_space<vmem>> -> memref<128xi32, #tpu.memory_space<vmem>>
    %dma_start3A_37 = arith.constant 0 : i32
    %dma_start3A_38 = arith.constant 0 : i32
    %dma_start3A_39 = tpu.memref_slice %arg2[%dma_start3A_37, %dma_start3A_38] : memref<10000x128xf32, #tpu.memory_space<hbm>> -> memref<10000x128xf32, #tpu.memory_space<hbm>>
    tpu.enqueue_indirect_dma source(%dma_start3A_39 : memref<10000x128xf32, #tpu.memory_space<hbm>>) target(%arg10 : memref<128x128xf32, #tpu.memory_space<vmem>>) offsets(%dma_start3A_36 : memref<128xi32, #tpu.memory_space<vmem>>) semaphore(%arg12 : memref<!tpu.dma_semaphore, #tpu.memory_space<semaphore_mem>>)
    %dma_start3A_40 = arith.constant 1 : i32
    %dma_start3A_41 = arith.constant 0 : i32
    %dma_start3A_42 = tpu.memref_slice %arg7[%dma_start3A_40, %dma_start3A_41] : memref<40x128xi32, #tpu.memory_space<vmem>> -> memref<1x128xi32, #tpu.memory_space<vmem>>
    %dma_start3A_43 = tpu.memref_squeeze %dma_start3A_42 : memref<1x128xi32, #tpu.memory_space<vmem>> -> memref<128xi32, #tpu.memory_space<vmem>>
    %dma_start3A_44 = arith.constant 0 : i32
    %dma_start3A_45 = arith.constant 0 : i32
    %dma_start3A_46 = tpu.memref_slice %arg2[%dma_start3A_44, %dma_start3A_45] : memref<10000x128xf32, #tpu.memory_space<hbm>> -> memref<10000x128xf32, #tpu.memory_space<hbm>>
    tpu.enqueue_indirect_dma source(%dma_start3A_46 : memref<10000x128xf32, #tpu.memory_space<hbm>>) target(%arg11 : memref<128x128xf32, #tpu.memory_space<vmem>>) offsets(%dma_start3A_43 : memref<128xi32, #tpu.memory_space<vmem>>) semaphore(%arg13 : memref<!tpu.dma_semaphore, #tpu.memory_space<semaphore_mem>>)
    %scan3A_47 = arith.constant 0 : i32
    %scan3A_48 = arith.constant 20 : i32
    %scan3A_49 = arith.addi %scan3A_47, %scan3A_48 : i32
    %scan3A_50 = arith.constant 1 : i32
    scf.for %scan3A_71 = %scan3A_47 to %scan3A_49 step %scan3A_50  : i32 {
      %mul3A_72 = arith.constant 2 : i32
      %mul3A_73 = arith.muli %scan3A_71, %mul3A_72 : i32
      %add3A_74 = arith.constant 0 : i32
      %add3A_75 = arith.addi %add3A_74, %mul3A_73 : i32
      %add3A_76 = arith.constant 0 : i32
      %add3A_77 = arith.addi %add3A_75, %add3A_76 : i32
      %dma_wait3A_78 = arith.constant 0 : i32
      %dma_wait3A_79 = tpu.memref_slice %arg7[%add3A_77, %dma_wait3A_78] : memref<40x128xi32, #tpu.memory_space<vmem>> -> memref<1x128xi32, #tpu.memory_space<vmem>>
      %dma_wait3A_80 = tpu.memref_squeeze %dma_wait3A_79 : memref<1x128xi32, #tpu.memory_space<vmem>> -> memref<128xi32, #tpu.memory_space<vmem>>
      %dma_wait3A_81 = arith.constant 0 : i32
      %dma_wait3A_82 = arith.constant 0 : i32
      %dma_wait3A_83 = tpu.memref_slice %arg2[%dma_wait3A_81, %dma_wait3A_82] : memref<10000x128xf32, #tpu.memory_space<hbm>> -> memref<10000x128xf32, #tpu.memory_space<hbm>>
      tpu.wait_indirect_dma semaphore(%arg12 : memref<!tpu.dma_semaphore, #tpu.memory_space<semaphore_mem>>) src(%dma_wait3A_83 : memref<10000x128xf32, #tpu.memory_space<hbm>>) dst(%arg10 : memref<128x128xf32, #tpu.memory_space<vmem>>)
      %add3A_84 = arith.constant 0 : i32
      %add3A_85 = arith.addi %add3A_75, %add3A_84 : i32
      "tpu.region"() ({
        %run_scoped3A = tpu.sem_alloc : memref<!tpu.dma_semaphore, #tpu.memory_space<semaphore_mem>>
        %dma_start3A_119 = arith.constant 0 : i32
        %dma_start3A_120 = tpu.memref_slice %arg8[%add3A_85, %dma_start3A_119] : memref<40x128xi32, #tpu.memory_space<vmem>> -> memref<1x128xi32, #tpu.memory_space<vmem>>
        %dma_start3A_121 = tpu.memref_squeeze %dma_start3A_120 : memref<1x128xi32, #tpu.memory_space<vmem>> -> memref<128xi32, #tpu.memory_space<vmem>>
        %dma_start3A_122 = arith.constant 0 : i32
        %dma_start3A_123 = arith.constant 0 : i32
        %dma_start3A_124 = tpu.memref_slice %arg9[%dma_start3A_122, %dma_start3A_123] : memref<10240x128xf32, #tpu.memory_space<vmem_shared>> -> memref<10240x128xf32, #tpu.memory_space<vmem_shared>>
        tpu.enqueue_indirect_dma source(%arg10 : memref<128x128xf32, #tpu.memory_space<vmem>>) target(%dma_start3A_124 : memref<10240x128xf32, #tpu.memory_space<vmem_shared>>) offsets(%dma_start3A_121 : memref<128xi32, #tpu.memory_space<vmem>>) semaphore(%run_scoped3A : memref<!tpu.dma_semaphore, #tpu.memory_space<semaphore_mem>>) {add = true}
        %dma_wait3A_125 = arith.constant 0 : i32
        %dma_wait3A_126 = tpu.memref_slice %arg8[%add3A_85, %dma_wait3A_125] : memref<40x128xi32, #tpu.memory_space<vmem>> -> memref<1x128xi32, #tpu.memory_space<vmem>>
        %dma_wait3A_127 = tpu.memref_squeeze %dma_wait3A_126 : memref<1x128xi32, #tpu.memory_space<vmem>> -> memref<128xi32, #tpu.memory_space<vmem>>
        %dma_wait3A_128 = arith.constant 0 : i32
        %dma_wait3A_129 = arith.constant 0 : i32
        %dma_wait3A_130 = tpu.memref_slice %arg9[%dma_wait3A_128, %dma_wait3A_129] : memref<10240x128xf32, #tpu.memory_space<vmem_shared>> -> memref<10240x128xf32, #tpu.memory_space<vmem_shared>>
        tpu.wait_indirect_dma semaphore(%run_scoped3A : memref<!tpu.dma_semaphore, #tpu.memory_space<semaphore_mem>>) src(%arg10 : memref<128x128xf32, #tpu.memory_space<vmem>>) dst(%dma_wait3A_130 : memref<10240x128xf32, #tpu.memory_space<vmem_shared>>)
        tpu.yield
      }) : () -> ()
      %add3A_86 = arith.constant 0 : i32
      %add3A_87 = arith.addi %add3A_75, %add3A_86 : i32
      %add3A_88 = arith.constant 2 : i32
      %add3A_89 = arith.addi %add3A_87, %add3A_88 : i32
      %min3A = arith.constant 39 : i32
      %min3A_90 = arith.minsi %add3A_89, %min3A : i32
      %dma_start3A_91 = arith.constant 0 : i32
      %dma_start3A_92 = tpu.memref_slice %arg7[%min3A_90, %dma_start3A_91] : memref<40x128xi32, #tpu.memory_space<vmem>> -> memref<1x128xi32, #tpu.memory_space<vmem>>
      %dma_start3A_93 = tpu.memref_squeeze %dma_start3A_92 : memref<1x128xi32, #tpu.memory_space<vmem>> -> memref<128xi32, #tpu.memory_space<vmem>>
      %dma_start3A_94 = arith.constant 0 : i32
      %dma_start3A_95 = arith.constant 0 : i32
      %dma_start3A_96 = tpu.memref_slice %arg2[%dma_start3A_94, %dma_start3A_95] : memref<10000x128xf32, #tpu.memory_space<hbm>> -> memref<10000x128xf32, #tpu.memory_space<hbm>>
      tpu.enqueue_indirect_dma source(%dma_start3A_96 : memref<10000x128xf32, #tpu.memory_space<hbm>>) target(%arg10 : memref<128x128xf32, #tpu.memory_space<vmem>>) offsets(%dma_start3A_93 : memref<128xi32, #tpu.memory_space<vmem>>) semaphore(%arg12 : memref<!tpu.dma_semaphore, #tpu.memory_space<semaphore_mem>>)
      %add3A_97 = arith.constant 1 : i32
      %add3A_98 = arith.addi %add3A_75, %add3A_97 : i32
      %dma_wait3A_99 = arith.constant 0 : i32
      %dma_wait3A_100 = tpu.memref_slice %arg7[%add3A_98, %dma_wait3A_99] : memref<40x128xi32, #tpu.memory_space<vmem>> -> memref<1x128xi32, #tpu.memory_space<vmem>>
      %dma_wait3A_101 = tpu.memref_squeeze %dma_wait3A_100 : memref<1x128xi32, #tpu.memory_space<vmem>> -> memref<128xi32, #tpu.memory_space<vmem>>
      %dma_wait3A_102 = arith.constant 0 : i32
      %dma_wait3A_103 = arith.constant 0 : i32
      %dma_wait3A_104 = tpu.memref_slice %arg2[%dma_wait3A_102, %dma_wait3A_103] : memref<10000x128xf32, #tpu.memory_space<hbm>> -> memref<10000x128xf32, #tpu.memory_space<hbm>>
      tpu.wait_indirect_dma semaphore(%arg13 : memref<!tpu.dma_semaphore, #tpu.memory_space<semaphore_mem>>) src(%dma_wait3A_104 : memref<10000x128xf32, #tpu.memory_space<hbm>>) dst(%arg11 : memref<128x128xf32, #tpu.memory_space<vmem>>)
      %add3A_105 = arith.constant 1 : i32
      %add3A_106 = arith.addi %add3A_75, %add3A_105 : i32
      "tpu.region"() ({
        %run_scoped3A = tpu.sem_alloc : memref<!tpu.dma_semaphore, #tpu.memory_space<semaphore_mem>>
        %dma_start3A_119 = arith.constant 0 : i32
        %dma_start3A_120 = tpu.memref_slice %arg8[%add3A_106, %dma_start3A_119] : memref<40x128xi32, #tpu.memory_space<vmem>> -> memref<1x128xi32, #tpu.memory_space<vmem>>
        %dma_start3A_121 = tpu.memref_squeeze %dma_start3A_120 : memref<1x128xi32, #tpu.memory_space<vmem>> -> memref<128xi32, #tpu.memory_space<vmem>>
        %dma_start3A_122 = arith.constant 0 : i32
        %dma_start3A_123 = arith.constant 0 : i32
        %dma_start3A_124 = tpu.memref_slice %arg9[%dma_start3A_122, %dma_start3A_123] : memref<10240x128xf32, #tpu.memory_space<vmem_shared>> -> memref<10240x128xf32, #tpu.memory_space<vmem_shared>>
        tpu.enqueue_indirect_dma source(%arg11 : memref<128x128xf32, #tpu.memory_space<vmem>>) target(%dma_start3A_124 : memref<10240x128xf32, #tpu.memory_space<vmem_shared>>) offsets(%dma_start3A_121 : memref<128xi32, #tpu.memory_space<vmem>>) semaphore(%run_scoped3A : memref<!tpu.dma_semaphore, #tpu.memory_space<semaphore_mem>>) {add = true}
        %dma_wait3A_125 = arith.constant 0 : i32
        %dma_wait3A_126 = tpu.memref_slice %arg8[%add3A_106, %dma_wait3A_125] : memref<40x128xi32, #tpu.memory_space<vmem>> -> memref<1x128xi32, #tpu.memory_space<vmem>>
        %dma_wait3A_127 = tpu.memref_squeeze %dma_wait3A_126 : memref<1x128xi32, #tpu.memory_space<vmem>> -> memref<128xi32, #tpu.memory_space<vmem>>
        %dma_wait3A_128 = arith.constant 0 : i32
        %dma_wait3A_129 = arith.constant 0 : i32
        %dma_wait3A_130 = tpu.memref_slice %arg9[%dma_wait3A_128, %dma_wait3A_129] : memref<10240x128xf32, #tpu.memory_space<vmem_shared>> -> memref<10240x128xf32, #tpu.memory_space<vmem_shared>>
        tpu.wait_indirect_dma semaphore(%run_scoped3A : memref<!tpu.dma_semaphore, #tpu.memory_space<semaphore_mem>>) src(%arg11 : memref<128x128xf32, #tpu.memory_space<vmem>>) dst(%dma_wait3A_130 : memref<10240x128xf32, #tpu.memory_space<vmem_shared>>)
        tpu.yield
      }) : () -> ()
      %add3A_107 = arith.constant 1 : i32
      %add3A_108 = arith.addi %add3A_75, %add3A_107 : i32
      %add3A_109 = arith.constant 2 : i32
      %add3A_110 = arith.addi %add3A_108, %add3A_109 : i32
      %min3A_111 = arith.constant 39 : i32
      %min3A_112 = arith.minsi %add3A_110, %min3A_111 : i32
      %dma_start3A_113 = arith.constant 0 : i32
      %dma_start3A_114 = tpu.memref_slice %arg7[%min3A_112, %dma_start3A_113] : memref<40x128xi32, #tpu.memory_space<vmem>> -> memref<1x128xi32, #tpu.memory_space<vmem>>
      %dma_start3A_115 = tpu.memref_squeeze %dma_start3A_114 : memref<1x128xi32, #tpu.memory_space<vmem>> -> memref<128xi32, #tpu.memory_space<vmem>>
      %dma_start3A_116 = arith.constant 0 : i32
      %dma_start3A_117 = arith.constant 0 : i32
      %dma_start3A_118 = tpu.memref_slice %arg2[%dma_start3A_116, %dma_start3A_117] : memref<10000x128xf32, #tpu.memory_space<hbm>> -> memref<10000x128xf32, #tpu.memory_space<hbm>>
      tpu.enqueue_indirect_dma source(%dma_start3A_118 : memref<10000x128xf32, #tpu.memory_space<hbm>>) target(%arg11 : memref<128x128xf32, #tpu.memory_space<vmem>>) offsets(%dma_start3A_115 : memref<128xi32, #tpu.memory_space<vmem>>) semaphore(%arg13 : memref<!tpu.dma_semaphore, #tpu.memory_space<semaphore_mem>>)
    }
    %scan3A_51 = arith.constant 20 : i32
    %dma_wait3A_52 = arith.constant 39 : i32
    %dma_wait3A_53 = arith.constant 0 : i32
    %dma_wait3A_54 = tpu.memref_slice %arg7[%dma_wait3A_52, %dma_wait3A_53] : memref<40x128xi32, #tpu.memory_space<vmem>> -> memref<1x128xi32, #tpu.memory_space<vmem>>
    %dma_wait3A_55 = tpu.memref_squeeze %dma_wait3A_54 : memref<1x128xi32, #tpu.memory_space<vmem>> -> memref<128xi32, #tpu.memory_space<vmem>>
    %dma_wait3A_56 = arith.constant 0 : i32
    %dma_wait3A_57 = arith.constant 0 : i32
    %dma_wait3A_58 = tpu.memref_slice %arg2[%dma_wait3A_56, %dma_wait3A_57] : memref<10000x128xf32, #tpu.memory_space<hbm>> -> memref<10000x128xf32, #tpu.memory_space<hbm>>
    tpu.wait_indirect_dma semaphore(%arg12 : memref<!tpu.dma_semaphore, #tpu.memory_space<semaphore_mem>>) src(%dma_wait3A_58 : memref<10000x128xf32, #tpu.memory_space<hbm>>) dst(%arg10 : memref<128x128xf32, #tpu.memory_space<vmem>>)
    %dma_wait3A_59 = arith.constant 39 : i32
    %dma_wait3A_60 = arith.constant 0 : i32
    %dma_wait3A_61 = tpu.memref_slice %arg7[%dma_wait3A_59, %dma_wait3A_60] : memref<40x128xi32, #tpu.memory_space<vmem>> -> memref<1x128xi32, #tpu.memory_space<vmem>>
    %dma_wait3A_62 = tpu.memref_squeeze %dma_wait3A_61 : memref<1x128xi32, #tpu.memory_space<vmem>> -> memref<128xi32, #tpu.memory_space<vmem>>
    %dma_wait3A_63 = arith.constant 0 : i32
    %dma_wait3A_64 = arith.constant 0 : i32
    %dma_wait3A_65 = tpu.memref_slice %arg2[%dma_wait3A_63, %dma_wait3A_64] : memref<10000x128xf32, #tpu.memory_space<hbm>> -> memref<10000x128xf32, #tpu.memory_space<hbm>>
    tpu.wait_indirect_dma semaphore(%arg13 : memref<!tpu.dma_semaphore, #tpu.memory_space<semaphore_mem>>) src(%dma_wait3A_65 : memref<10000x128xf32, #tpu.memory_space<hbm>>) dst(%arg11 : memref<128x128xf32, #tpu.memory_space<vmem>>)
    %barrier3A_66 = arith.constant 0 : index
    tpu.barrier barrier_id(%barrier3A_66)
    %mul3A_67 = arith.constant 640 : i32
    %mul3A_68 = arith.muli %arg1, %mul3A_67 : i32
    %mul3A_69 = arith.constant 640 : i32
    %mul3A_70 = arith.muli %arg1, %mul3A_69 : i32
    "tpu.region"() ({
      %run_scoped3A = tpu.sem_alloc : memref<!tpu.dma_semaphore, #tpu.memory_space<semaphore_mem>>
      %dma_start3A_71 = arith.constant 0 : i32
      %dma_start3A_72 = tpu.memref_slice %arg6[%arg0, %mul3A_70, %dma_start3A_71] : memref<2x10240x128xf32, #tpu.memory_space<hbm>> -> memref<1x640x128xf32, #tpu.memory_space<hbm>>
      %dma_start3A_73 = tpu.memref_squeeze %dma_start3A_72 : memref<1x640x128xf32, #tpu.memory_space<hbm>> -> memref<640x128xf32, #tpu.memory_space<hbm>>
      %dma_start3A_74 = arith.constant 0 : i32
      %dma_start3A_75 = tpu.memref_slice %arg9[%mul3A_68, %dma_start3A_74] : memref<10240x128xf32, #tpu.memory_space<vmem_shared>> -> memref<640x128xf32, #tpu.memory_space<vmem_shared>>
      tpu.enqueue_dma source(%dma_start3A_75 : memref<640x128xf32, #tpu.memory_space<vmem_shared>>) target(%dma_start3A_73 : memref<640x128xf32, #tpu.memory_space<hbm>>) target_semaphore(%run_scoped3A : memref<!tpu.dma_semaphore, #tpu.memory_space<semaphore_mem>>)
      %dma_wait3A_76 = arith.constant 0 : i32
      %dma_wait3A_77 = tpu.memref_slice %arg6[%arg0, %mul3A_70, %dma_wait3A_76] : memref<2x10240x128xf32, #tpu.memory_space<hbm>> -> memref<1x640x128xf32, #tpu.memory_space<hbm>>
      %dma_wait3A_78 = tpu.memref_squeeze %dma_wait3A_77 : memref<1x640x128xf32, #tpu.memory_space<hbm>> -> memref<640x128xf32, #tpu.memory_space<hbm>>
      %dma_wait3A_79 = arith.constant 0 : i32
      %dma_wait3A_80 = tpu.memref_slice %arg9[%mul3A_68, %dma_wait3A_79] : memref<10240x128xf32, #tpu.memory_space<vmem_shared>> -> memref<640x128xf32, #tpu.memory_space<vmem_shared>>
      tpu.wait_dma2 semaphore(%run_scoped3A : memref<!tpu.dma_semaphore, #tpu.memory_space<semaphore_mem>>) src(%dma_wait3A_80 : memref<640x128xf32, #tpu.memory_space<vmem_shared>>) dst(%dma_wait3A_78 : memref<640x128xf32, #tpu.memory_space<hbm>>)
      tpu.yield
    }) : () -> ()
    return
  }
}

module attributes {stable_mosaic.version = 14 : i64} {
  func.func @body(%arg0: memref<10000x128xf32, #tpu.memory_space<vmem>>, %arg1: memref<128x128xf32, #tpu.memory_space<vmem>>, %arg2: memref<10000x128xf32, #tpu.memory_space<vmem>>) attributes {dimension_semantics = [], scalar_prefetch = 0 : i64, scratch_operands = 0 : i64, tpu.core_type = #tpu.core_type<tc>} {
    %get3A = arith.constant 0 : index
    %get3A_0 = arith.constant 0 : index
    %get3A_1 = vector.load %arg0[%get3A, %get3A_0] : memref<10000x128xf32, #tpu.memory_space<vmem>>, vector<10000x128xf32>
    %get3A_2 = arith.constant 0 : index
    %get3A_3 = arith.constant 0 : index
    %get3A_4 = vector.load %arg1[%get3A_2, %get3A_3] : memref<128x128xf32, #tpu.memory_space<vmem>>, vector<128x128xf32>
    %dot_general3A = arith.constant dense<0.000000e+00> : vector<10000x128xf32>
    %dot_general3A_5 = tpu.matmul %get3A_1, %get3A_4, %dot_general3A {dimension_numbers = #tpu.dot_dimension_numbers<[1], [1], [0], [0], [0, 0, 1, 0], [], []>, transpose_lhs_hint = false} : vector<10000x128xf32>, vector<128x128xf32>, vector<10000x128xf32> -> vector<10000x128xf32>
    %swap3A = arith.constant 0 : index
    %swap3A_6 = arith.constant 0 : index
    %swap3A_7 = vector.load %arg2[%swap3A, %swap3A_6] : memref<10000x128xf32, #tpu.memory_space<vmem>>, vector<10000x128xf32>
    tpu.vector_store %arg2[%swap3A, %swap3A_6], %dot_general3A_5 {strides = array<i32>} : memref<10000x128xf32, #tpu.memory_space<vmem>>, vector<10000x128xf32>,
    return
  }
}

module attributes {stable_mosaic.version = 14 : i64} {
  func.func @body(%arg0: memref<10000x128xf32, #tpu.memory_space<vmem>>, %arg1: memref<2x80x128xf32, #tpu.memory_space<vmem>>, %arg2: memref<10000x128xf32, #tpu.memory_space<vmem>>) attributes {dimension_semantics = [], scalar_prefetch = 0 : i64, scratch_operands = 0 : i64, tpu.core_type = #tpu.core_type<tc>} {
    %get3A = arith.constant 0 : index
    %get3A_0 = arith.constant 0 : index
    %get3A_1 = arith.constant 0 : index
    %get3A_2 = vector.load %arg1[%get3A, %get3A_0, %get3A_1] : memref<2x80x128xf32, #tpu.memory_space<vmem>>, vector<1x80x128xf32>
    %get3A_3 = vector.shape_cast %get3A_2 : vector<1x80x128xf32> to vector<80x128xf32>
    %get3A_4 = arith.constant 1 : index
    %get3A_5 = arith.constant 0 : index
    %get3A_6 = arith.constant 0 : index
    %get3A_7 = vector.load %arg1[%get3A_4, %get3A_5, %get3A_6] : memref<2x80x128xf32, #tpu.memory_space<vmem>>, vector<1x80x128xf32>
    %get3A_8 = vector.shape_cast %get3A_7 : vector<1x80x128xf32> to vector<80x128xf32>
    %add3A = arith.addf %get3A_3, %get3A_8 : vector<80x128xf32>
    %reshape3A = vector.shape_cast %add3A : vector<80x128xf32> to vector<10240xf32>
    %slice3A = vector.extract_strided_slice %reshape3A {offsets = [0], sizes = [10000], strides = [1]} : vector<10240xf32> to vector<10000xf32>
    %broadcast_in_dim3A = vector.shape_cast %slice3A : vector<10000xf32> to vector<10000x1xf32>
    %add3A_9 = arith.constant 1.000000e+00 : f32
    %add3A_10 = vector.broadcast %add3A_9 : f32 to vector<10000x1xf32>
    %add3A_11 = arith.addf %broadcast_in_dim3A, %add3A_10 : vector<10000x1xf32>
    %rsqrt3A = math.rsqrt %add3A_11 : vector<10000x1xf32>
    %get3A_12 = arith.constant 0 : index
    %get3A_13 = arith.constant 0 : index
    %get3A_14 = vector.load %arg0[%get3A_12, %get3A_13] : memref<10000x128xf32, #tpu.memory_space<vmem>>, vector<10000x128xf32>
    %mul3A = vector.broadcast %rsqrt3A : vector<10000x1xf32> to vector<10000x128xf32>
    %mul3A_15 = arith.mulf %get3A_14, %mul3A : vector<10000x128xf32>
    %swap3A = arith.constant 0 : index
    %swap3A_16 = arith.constant 0 : index
    %swap3A_17 = vector.load %arg2[%swap3A, %swap3A_16] : memref<10000x128xf32, #tpu.memory_space<vmem>>, vector<10000x128xf32>
    tpu.vector_store %arg2[%swap3A, %swap3A_16], %mul3A_15 {strides = array<i32>} : memref<10000x128xf32, #tpu.memory_space<vmem>>, vector<10000x128xf32>,
    return
  }
}

module attributes {stable_mosaic.version = 14 : i64} {
  func.func @body(%arg0: memref<2x10240x128xf32, #tpu.memory_space<vmem>>, %arg1: memref<10000x128xf32, #tpu.memory_space<vmem>>, %arg2: memref<2x80x128xf32, #tpu.memory_space<vmem>>, %arg3: memref<1x128xf32, #tpu.memory_space<vmem>>, %arg4: memref<128x128xf32, #tpu.memory_space<vmem>>, %arg5: memref<10000x128xf32, #tpu.memory_space<vmem>>) attributes {dimension_semantics = [], scalar_prefetch = 0 : i64, scratch_operands = 0 : i64, tpu.core_type = #tpu.core_type<tc>} {
    %get3A = arith.constant 0 : index
    %get3A_0 = arith.constant 0 : index
    %get3A_1 = arith.constant 0 : index
    %get3A_2 = vector.load %arg2[%get3A, %get3A_0, %get3A_1] : memref<2x80x128xf32, #tpu.memory_space<vmem>>, vector<1x80x128xf32>
    %get3A_3 = vector.shape_cast %get3A_2 : vector<1x80x128xf32> to vector<80x128xf32>
    %get3A_4 = arith.constant 1 : index
    %get3A_5 = arith.constant 0 : index
    %get3A_6 = arith.constant 0 : index
    %get3A_7 = vector.load %arg2[%get3A_4, %get3A_5, %get3A_6] : memref<2x80x128xf32, #tpu.memory_space<vmem>>, vector<1x80x128xf32>
    %get3A_8 = vector.shape_cast %get3A_7 : vector<1x80x128xf32> to vector<80x128xf32>
    %add3A = arith.addf %get3A_3, %get3A_8 : vector<80x128xf32>
    %reshape3A = vector.shape_cast %add3A : vector<80x128xf32> to vector<10240xf32>
    %slice3A = vector.extract_strided_slice %reshape3A {offsets = [0], sizes = [10000], strides = [1]} : vector<10240xf32> to vector<10000xf32>
    %broadcast_in_dim3A = vector.shape_cast %slice3A : vector<10000xf32> to vector<10000x1xf32>
    %add3A_9 = arith.constant 1.000000e+00 : f32
    %add3A_10 = vector.broadcast %add3A_9 : f32 to vector<10000x1xf32>
    %add3A_11 = arith.addf %broadcast_in_dim3A, %add3A_10 : vector<10000x1xf32>
    %rsqrt3A = math.rsqrt %add3A_11 : vector<10000x1xf32>
    %get3A_12 = arith.constant 0 : index
    %get3A_13 = arith.constant 0 : index
    %get3A_14 = arith.constant 0 : index
    %get3A_15 = vector.load %arg0[%get3A_12, %get3A_13, %get3A_14] : memref<2x10240x128xf32, #tpu.memory_space<vmem>>, vector<1x10000x128xf32>
    %get3A_16 = vector.shape_cast %get3A_15 : vector<1x10000x128xf32> to vector<10000x128xf32>
    %get3A_17 = arith.constant 1 : index
    %get3A_18 = arith.constant 0 : index
    %get3A_19 = arith.constant 0 : index
    %get3A_20 = vector.load %arg0[%get3A_17, %get3A_18, %get3A_19] : memref<2x10240x128xf32, #tpu.memory_space<vmem>>, vector<1x10000x128xf32>
    %get3A_21 = vector.shape_cast %get3A_20 : vector<1x10000x128xf32> to vector<10000x128xf32>
    %add3A_22 = arith.addf %get3A_16, %get3A_21 : vector<10000x128xf32>
    %get3A_23 = arith.constant 0 : index
    %get3A_24 = arith.constant 0 : index
    %get3A_25 = vector.load %arg1[%get3A_23, %get3A_24] : memref<10000x128xf32, #tpu.memory_space<vmem>>, vector<10000x128xf32>
    %mul3A = vector.broadcast %rsqrt3A : vector<10000x1xf32> to vector<10000x128xf32>
    %mul3A_26 = arith.mulf %get3A_25, %mul3A : vector<10000x128xf32>
    %add3A_27 = arith.addf %add3A_22, %mul3A_26 : vector<10000x128xf32>
    %mul3A_28 = vector.broadcast %rsqrt3A : vector<10000x1xf32> to vector<10000x128xf32>
    %mul3A_29 = arith.mulf %add3A_27, %mul3A_28 : vector<10000x128xf32>
    %get3A_30 = arith.constant 0 : index
    %get3A_31 = arith.constant 0 : index
    %get3A_32 = vector.load %arg3[%get3A_30, %get3A_31] : memref<1x128xf32, #tpu.memory_space<vmem>>, vector<1x128xf32>
    %add3A_33 = vector.broadcast %get3A_32 : vector<1x128xf32> to vector<10000x128xf32>
    %add3A_34 = arith.addf %mul3A_29, %add3A_33 : vector<10000x128xf32>
    %max3A = arith.constant 0.000000e+00 : f32
    %max3A_35 = vector.broadcast %max3A : f32 to vector<10000x128xf32>
    %max3A_36 = arith.maximumf %add3A_34, %max3A_35 : vector<10000x128xf32>
    %get3A_37 = arith.constant 0 : index
    %get3A_38 = arith.constant 0 : index
    %get3A_39 = vector.load %arg4[%get3A_37, %get3A_38] : memref<128x128xf32, #tpu.memory_space<vmem>>, vector<128x128xf32>
    %dot_general3A = arith.constant dense<0.000000e+00> : vector<10000x128xf32>
    %dot_general3A_40 = tpu.matmul %max3A_36, %get3A_39, %dot_general3A {dimension_numbers = #tpu.dot_dimension_numbers<[1], [1], [0], [0], [0, 0, 1, 0], [], []>, transpose_lhs_hint = false} : vector<10000x128xf32>, vector<128x128xf32>, vector<10000x128xf32> -> vector<10000x128xf32>
    %mul3A_41 = vector.broadcast %rsqrt3A : vector<10000x1xf32> to vector<10000x128xf32>
    %mul3A_42 = arith.mulf %dot_general3A_40, %mul3A_41 : vector<10000x128xf32>
    %swap3A = arith.constant 0 : index
    %swap3A_43 = arith.constant 0 : index
    %swap3A_44 = vector.load %arg5[%swap3A, %swap3A_43] : memref<10000x128xf32, #tpu.memory_space<vmem>>, vector<10000x128xf32>
    tpu.vector_store %arg5[%swap3A, %swap3A_43], %mul3A_42 {strides = array<i32>} : memref<10000x128xf32, #tpu.memory_space<vmem>>, vector<10000x128xf32>,
    return
  }
}

module attributes {stable_mosaic.version = 14 : i64} {
  func.func @body(%arg0: memref<2x10240x128xf32, #tpu.memory_space<vmem>>, %arg1: memref<10000x128xf32, #tpu.memory_space<vmem>>, %arg2: memref<2x80x128xf32, #tpu.memory_space<vmem>>, %arg3: memref<1x128xf32, #tpu.memory_space<vmem>>, %arg4: memref<10000x128xf32, #tpu.memory_space<vmem>>) attributes {dimension_semantics = [], scalar_prefetch = 0 : i64, scratch_operands = 0 : i64, tpu.core_type = #tpu.core_type<tc>} {
    %get3A = arith.constant 0 : index
    %get3A_0 = arith.constant 0 : index
    %get3A_1 = arith.constant 0 : index
    %get3A_2 = vector.load %arg2[%get3A, %get3A_0, %get3A_1] : memref<2x80x128xf32, #tpu.memory_space<vmem>>, vector<1x80x128xf32>
    %get3A_3 = vector.shape_cast %get3A_2 : vector<1x80x128xf32> to vector<80x128xf32>
    %get3A_4 = arith.constant 1 : index
    %get3A_5 = arith.constant 0 : index
    %get3A_6 = arith.constant 0 : index
    %get3A_7 = vector.load %arg2[%get3A_4, %get3A_5, %get3A_6] : memref<2x80x128xf32, #tpu.memory_space<vmem>>, vector<1x80x128xf32>
    %get3A_8 = vector.shape_cast %get3A_7 : vector<1x80x128xf32> to vector<80x128xf32>
    %add3A = arith.addf %get3A_3, %get3A_8 : vector<80x128xf32>
    %reshape3A = vector.shape_cast %add3A : vector<80x128xf32> to vector<10240xf32>
    %slice3A = vector.extract_strided_slice %reshape3A {offsets = [0], sizes = [10000], strides = [1]} : vector<10240xf32> to vector<10000xf32>
    %broadcast_in_dim3A = vector.shape_cast %slice3A : vector<10000xf32> to vector<10000x1xf32>
    %add3A_9 = arith.constant 1.000000e+00 : f32
    %add3A_10 = vector.broadcast %add3A_9 : f32 to vector<10000x1xf32>
    %add3A_11 = arith.addf %broadcast_in_dim3A, %add3A_10 : vector<10000x1xf32>
    %rsqrt3A = math.rsqrt %add3A_11 : vector<10000x1xf32>
    %get3A_12 = arith.constant 0 : index
    %get3A_13 = arith.constant 0 : index
    %get3A_14 = arith.constant 0 : index
    %get3A_15 = vector.load %arg0[%get3A_12, %get3A_13, %get3A_14] : memref<2x10240x128xf32, #tpu.memory_space<vmem>>, vector<1x10000x128xf32>
    %get3A_16 = vector.shape_cast %get3A_15 : vector<1x10000x128xf32> to vector<10000x128xf32>
    %get3A_17 = arith.constant 1 : index
    %get3A_18 = arith.constant 0 : index
    %get3A_19 = arith.constant 0 : index
    %get3A_20 = vector.load %arg0[%get3A_17, %get3A_18, %get3A_19] : memref<2x10240x128xf32, #tpu.memory_space<vmem>>, vector<1x10000x128xf32>
    %get3A_21 = vector.shape_cast %get3A_20 : vector<1x10000x128xf32> to vector<10000x128xf32>
    %add3A_22 = arith.addf %get3A_16, %get3A_21 : vector<10000x128xf32>
    %get3A_23 = arith.constant 0 : index
    %get3A_24 = arith.constant 0 : index
    %get3A_25 = vector.load %arg1[%get3A_23, %get3A_24] : memref<10000x128xf32, #tpu.memory_space<vmem>>, vector<10000x128xf32>
    %add3A_26 = arith.addf %add3A_22, %get3A_25 : vector<10000x128xf32>
    %mul3A = vector.broadcast %rsqrt3A : vector<10000x1xf32> to vector<10000x128xf32>
    %mul3A_27 = arith.mulf %add3A_26, %mul3A : vector<10000x128xf32>
    %get3A_28 = arith.constant 0 : index
    %get3A_29 = arith.constant 0 : index
    %get3A_30 = vector.load %arg3[%get3A_28, %get3A_29] : memref<1x128xf32, #tpu.memory_space<vmem>>, vector<1x128xf32>
    %add3A_31 = vector.broadcast %get3A_30 : vector<1x128xf32> to vector<10000x128xf32>
    %add3A_32 = arith.addf %mul3A_27, %add3A_31 : vector<10000x128xf32>
    %swap3A = arith.constant 0 : index
    %swap3A_33 = arith.constant 0 : index
    %swap3A_34 = vector.load %arg4[%swap3A, %swap3A_33] : memref<10000x128xf32, #tpu.memory_space<vmem>>, vector<10000x128xf32>
    tpu.vector_store %arg4[%swap3A, %swap3A_33], %add3A_32 {strides = array<i32>} : memref<10000x128xf32, #tpu.memory_space<vmem>>, vector<10000x128xf32>,
    return
  }
}

</mosaic_0001>

<sc_bundles>
// kernel: kernel.12.cloned.1.call-start
scs
__scs_entry_jumppad:
0x0: {  	(pc) =	sbr.rel $0x88, $3  }
0x1: {  	(tag) =	ssettag $0x0;
	lr =	simm.s32 $0x1  }
0x2: {  	[smem:$0x3F9B] =	sst lr;
	_ =	strace $0xD0000000  }
0x3: {  	_ = 	snop  }
0x4: {  	_ = 	snop  }
0x5: {  	_ = 	snop  }
0x6: {  	_ = 	snop  }
0x7: {  	_ = 	snop  }
__scs_overlays_trampoline_lowered:
0x8: {  	[smem:$0x3FAA] =	sst s0  }
0x9: {  	[smem:$0x3FAB] =	sst s1  }
0xa: {  	[smem:$0x3FAC] =	sst s2  }
0xb: {  	[smem:$0x3FAD] =	sst s3  }
0xc: {  	[smem:$0x3FAE] =	sst s4  }
0xd: {  	[smem:$0x3FAF] =	sst s5  }
0xe: {  	[smem:$0x3FB0] =	sst s6  }
0xf: {  	[smem:$0x3FB1] =	sst s7  }
0x10: {  	[smem:$0x3FB2] =	sst s8  }
0x11: {  	[smem:$0x3FB3] =	sst s9;
	s0 =	simm.s32 @!p0 $0x0  }
0x12: {  	s1 =	sld [smem:$0x3F99];
	s0 =	simm.s32 @p0 $0x1  }
0x13: {  	[smem:$0x3FB4] =	sst s0;
	s0 =	simm.s32 @!p1 $0x0  }
0x14: {  	s2 =	sld [smem:$0x3F98];
	s0 =	simm.s32 @p1 $0x1  }
0x15: {  	[smem:$0x3FB5] =	sst s0;
	s0 =	simm.s32 @!p2 $0x0  }
0x16: {  	s3 =	sld [smem:$0x3FDB];
	s0 =	simm.s32 @p2 $0x1  }
0x17: {  	s4 =	simm.s32 $0x1BF5;
	[smem:$0x3FB7] =	sst s0  }
0x18: {  	s0 =	sld [smem:$0x3F9A];
	_ =	swait.ge [sflag:s4], $0x0  }
0x19: {  	s7 =	sld [smem:$0x3F9B]  }
0x1a: {  	s8 =	sadd.s32 $0xFFFFE003, lr  }
0x1b: {  	s9 =	sadd.s32 $0xFFFFFEF7, lr;
	s5 =	simm.s32 $0xFFFFFFFF;
	p2 =	slt.u32 s8, $0xFFFFF086  }
0x1c: {  	p1 =	slt.u32 s9, $0xF7A;
	s5 =	simm.s32 @!p2 $0x0  }
0x1d: {  	s5 =	simm.s32 @p1 $0x1;
	p0 =	seq.s32 s7, s2  }
0x1e: {  	s7 =	smul.u32 @!p0 $0xF7A, s2;
	p2 =	seq.s32 @!p0 s5, $0x0  }
0x1f: {  	s9 =	smul.u32 $0xF7A, s1;
	s8 =	simm.s32 @!p0 $0x1BF5;
	p2 =	por !p2, p0  }
0x20: {  	[sflag:s8] =	ssyncset.s32 @!p0 $0xFFFFF086;
	s6 =	sadd.s32 @!p0 s3, s7;
	s7 =	simm.s32 @!p0 $0x108  }
0x21: {  	s3 =	sadd.s32 s3, s9;
	s6 =	sadd.s32 @!p0 $0x88, s6;
	s7 =	simm.s32 @p2 $0x1082  }
0x22: {  	[simem:s7], [sflag:s8] =	dma.local @!p0 [hbm:s6], $0xF7A  }
0x23: {  	s9 =	sor.u32 $0xD0000000, s2;
	s6 =	simm.s32 $0x108;
	_ =	swait.ge @!p0 [sflag:s8], $0x0  }
0x24: {  	s3 =	sadd.s32 $0x88, s3;
	s6 =	simm.s32 @!p1 $0x1082;
	[sflag:s4] =	ssyncset.s32 $0xFFFFF086  }
0x25: {  	[simem:s6], [sflag:s4] =	dma.local [hbm:s3], $0xF7A  }
0x26: {  	[smem:$0x3F9B] =	sst s1;
	(tag) =	ssettag s2;
	_ =	strace s9  }
0x27: {  	s1 =	sld [smem:$0x3FAB]  }
0x28: {  	s2 =	sld [smem:$0x3FAC]  }
0x29: {  	s4 =	sld [smem:$0x3FAE]  }
0x2a: {  	p0 =	seq.s32 s5, $0x0;
	s5 =	sld [smem:$0x3FAF]  }
0x2b: {  	s6 =	sld [smem:$0x3FB0]  }
0x2c: {  	s7 =	sld [smem:$0x3FB1]  }
0x2d: {  	s3 =	simm.s32 $0x108;
	s8 =	sld [smem:$0x3FB2]  }
0x2e: {  	s3 =	simm.s32 @!p0 $0x1082;
	s9 =	sld [smem:$0x3FB3]  }
0x2f: {  	lr =	sadd.s32 s0, s3;
	s0 =	sld [smem:$0x3FAA]  }
0x30: {  	s3 =	sld [smem:$0x3FAD]  }
0x31: {  	[smem:$0x3FB6] =	sst s10  }
0x32: {  	s10 =	sld [smem:$0x3FB4];
	_ =	sdelay $0x3  }
0x33: {  	p0 =	seq.s32 s10, $0x1;
	s10 =	sld [smem:$0x3FB6];
	_ =	sdelay $0x3  }
0x34: {  	[smem:$0x3FB6] =	sst s10  }
0x35: {  	s10 =	sld [smem:$0x3FB5];
	_ =	sdelay $0x3  }
0x36: {  	p1 =	seq.s32 s10, $0x1;
	s10 =	sld [smem:$0x3FB6];
	_ =	sdelay $0x3  }
0x37: {  	[smem:$0x3FB6] =	sst s10  }
0x38: {  	s10 =	sld [smem:$0x3FB7]  }
0x39: {  	_ = 	snop;
	(pc) =	sbr.ind lr, $3  }
0x3a: {  	_ = 	snop  }
0x3b: {  	_ = 	snop  }
0x3c: {  	p2 =	seq.s32 s10, $0x1;
	s10 =	sld [smem:$0x3FB6]  }
0x3d: {  	_ =	shalt  }
0x3e: {  	_ =	shalt  }
0x3f: {  	_ =	shalt  }
0x40: {  	_ =	shalt  }
0x41: {  	_ =	shalt  }
0x42: {  	_ =	shalt  }
0x43: {  	_ =	shalt  }
0x44: {  	_ =	shalt  }
0x45: {  	_ =	shalt  }
0x46: {  	_ =	shalt  }
0x47: {  	_ =	shalt  }
0x48: {  	_ =	shalt  }
0x49: {  	_ =	shalt  }
0x4a: {  	_ =	shalt  }
0x4b: {  	_ =	shalt  }
0x4c: {  	_ =	shalt  }
0x4d: {  	_ =	shalt  }
0x4e: {  	_ =	shalt  }
0x4f: {  	_ =	shalt  }
0x50: {  	_ =	shalt  }
0x51: {  	_ =	shalt  }
0x52: {  	_ =	shalt  }
0x53: {  	_ =	shalt  }
0x54: {  	_ =	shalt  }
0x55: {  	_ =	shalt  }
0x56: {  	_ =	shalt  }
0x57: {  	_ =	shalt  }
0x58: {  	_ =	shalt  }
0x59: {  	_ =	shalt  }
0x5a: {  	_ =	shalt  }
0x5b: {  	_ =	shalt  }
0x5c: {  	_ =	shalt  }
0x5d: {  	_ =	shalt  }
0x5e: {  	_ =	shalt  }
0x5f: {  	_ =	shalt  }
0x60: {  	_ =	shalt  }
0x61: {  	_ =	shalt  }
0x62: {  	_ =	shalt  }
0x63: {  	_ =	shalt  }
0x64: {  	_ =	shalt  }
0x65: {  	_ =	shalt  }
0x66: {  	_ =	shalt  }
0x67: {  	_ =	shalt  }
0x68: {  	_ =	shalt  }
0x69: {  	_ =	shalt  }
0x6a: {  	_ =	shalt  }
0x6b: {  	_ =	shalt  }
0x6c: {  	_ =	shalt  }
0x6d: {  	_ =	shalt  }
0x6e: {  	_ =	shalt  }
0x6f: {  	_ =	shalt  }
0x70: {  	_ =	shalt  }
0x71: {  	_ =	shalt  }
0x72: {  	_ =	shalt  }
0x73: {  	_ =	shalt  }
0x74: {  	_ =	shalt  }
0x75: {  	_ =	shalt  }
0x76: {  	_ =	shalt  }
0x77: {  	_ =	shalt  }
0x78: {  	_ =	shalt  }
0x79: {  	_ =	shalt  }
0x7a: {  	_ =	shalt  }
0x7b: {  	_ =	shalt  }
0x7c: {  	_ =	shalt  }
0x7d: {  	_ =	shalt  }
0x7e: {  	_ =	shalt  }
0x7f: {  	_ =	shalt  }
0x80: {  	_ =	shalt  }
0x81: {  	_ =	shalt  }
0x82: {  	_ =	shalt  }
0x83: {  	_ =	shalt  }
0x84: {  	_ =	shalt  }
0x85: {  	_ =	shalt  }
0x86: {  	_ =	shalt  }
0x87: {  	_ =	shalt  }
.Lfunc_end0:
.L_simem_size_0:
called_computation.1_lowered:
.L_overlay_start_0:
0x88: {  	s2 =	sld [smem:$0x3FD9]  }
0x89: {  	s3 =	sld [smem:$0x3FFE];
	_ =	sdelay $0x1  }
0x8a: {  	s1 =	srdreg.scid  }
0x8b: {  	s0 =	sand.u32 $0x1, s1  }
0x8c: {  	s17 =	sshll.u32 s0, $0xA;
	s2 =	sadd.s32 s3, s2  }
0x8d: {  	s2 =	sadd.s32 s2, s17  }
0x8e: {  	[smem:$0x3FC2] =	sst s2  }
0x8f: {  	_ = 	snop  }
0x90: {  	s2 =	sld [smem:$0x3FD0];
	(tm) =	ssettm $0x1  }
0x91: {  	s18 =	sld [smem:$0x3FFB];
	_ =	sdelay $0x3  }
0x92: {  	_ =	strace s18  }
0x93: {  	s3 =	sld [smem:$0x3FFC];
	_ =	sdelay $0x3  }
0x94: {  	_ =	strace s3  }
0x95: {  	s3 =	sld [smem:$0x3FFD];
	_ =	sdelay $0x3  }
0x96: {  	_ =	strace s3  }
0x97: {  	_ =	strace $0x8FFFFFFF  }
0x98: {  	s19 =	sld [smem:$0x3FDB];
	_ =	sdelay $0x1  }
0x99: {  	s4 =	simm.s32 $_scs_section_size  }
0x9a: {  	s5 =	simm.s32 $_size__tile_overlayer_lowered;
	s6 =	simm.s32 $_tile_overlayer_lowered  }
0x9b: {  	s22 =	simm.s32 $0x1BFF;
	s21 =	sshll.u32 s6, $0x1;
	s3 =	sadd.s32 s4, s19  }
0x9c: {  	s7 =	simm.s32 $0x0;
	s20 =	sshll.u32 s5, $0x1;
	s5 =	sadd.s32 s21, s3  }
0x9d: {  	[timem:s7], [sflag:s22] =	dma.local [hbm:s5], s20  }
0x9e: {  	_ =	swait.ge [sflag:s22], s20  }
0x9f: {  	s4 =	ssub.s32 $0x0, s20;
	[sflag:s22] =	ssyncset.done $0x0  }
0xa0: {  	[sflag:s22] =	ssyncadd.s32 s4;
	_ =	sdelay $0x1  }
0xa1: {  	s23 =	simm.s32 $0x1B8B  }
0xa2: {  	_ =	swait.ge [sflag:s23], $0x1  }
0xa3: {  	[sflag:s23] =	ssyncset.done $0x0  }
0xa4: {  	s25 =	simm.s32 $0x1B8E;
	s24 =	sld [smem:$0x3FFE];
	[sflag:s23] =	ssyncadd.s32 $0xFFFFFFFF  }
0xa5: {  	s26 =	simm.s32 $execute0_lowered;
	[smem:$0x3FD2] =	sst s25  }
0xa6: {  	s5 =	sshll.u32 s26, $0x1;
	_ =	strace $0x80000049;
	[dreg:$0x1] =	wrdreg $0xFFFFFFFF  }
0xa7: {  	s28 =	simm.s32 $_size_execute0_lowered;
	s3 =	sadd.s32 s3, s5;
	[dreg:$0x0] =	wrdreg $0x0  }
0xa8: {  	s5 =	sshll.u32 s28, $0x1;
	[dreg:$0x2] =	wrdreg s3  }
0xa9: {  	[dreg:$0x3] =	wrdreg s5  }
0xaa: {  	[dreg:$0x4] =	wrdreg $0xC0  }
0xab: {  	_ =	task [dreg:s7], $0x5FFFF  }
0xac: {  	[dreg:$0x1] =	wrdreg $0xFFFFFFFF  }
0xad: {  	[dreg:$0x0] =	wrdreg $0x60  }
0xae: {  	[dreg:$0x2] =	wrdreg s2  }
0xaf: {  	[dreg:$0x3] =	wrdreg s24  }
0xb0: {  	[dreg:$0x4] =	wrdreg $0x28000  }
0xb1: {  	[dreg:$0x5] =	wrdreg $0x9  }
0xb2: {  	_ =	task.clear_ibuf [dreg:s7], $0x6FFFF;
	_ =	strace $0x90000049  }
0xb3: {  	s29 =	simm.s32 $0x9;
	_ =	strace $0x8000004B  }
0xb4: {  	_ =	swait.ge [sflag:s29], $0x1  }
0xb5: {  	[sflag:s29] =	ssyncadd.s32 $0xFFFFFFFF  }
0xb6: {  	_ =	strace $0x9000004B  }
0xb7: {  	_ =	sfence  }
0xb8: {  	s30 =	sld [smem:$0x0];
	_ =	sdelay $0x2  }
0xb9: {  	s31 =	sshll.u32 s1, $0xD;
	s1 =	sshrl.u32 s1, $0x2  }
0xba: {  	s3 =	sand.u32 $0x4000, s31;
	s1 =	sadd.s32 s1, s30  }
0xbb: {  	s0 =	sor.u32 s3, s0;
	s1 =	sshll.u32 s1, $0x11  }
0xbc: {  	s0 =	sor.u32 s1, s0  }
0xbd: {  	s0 =	sadd.s32 $0x8F2B, s0  }
0xbe: {  	[sflag:s0] =	ssyncadd.remote.s32 $0x1  }
0xbf: {  	_ =	sfence.sel $0xFFFF  }
0xc0: {  	[dreg:$0x0] =	wrdreg $0xFFFFFFFF;
	(pc) =	sbr.abs _section_cstart, $3  }
0xc1: {  	[dreg:$0x1] =	wrdreg $0xFFFFFFFF  }
0xc2: {  	_ =	task.clear_ibuf [dreg:s7], $0x2FFFF;
	_ =	strace $0x9FFFFFFF  }
0xc3: {  	(tm) =	ssettm $0x7FFFFFFF  }
tec
execute0_lowered:
.L_overlay_start_1:
0x0: {  	(tag) =	ssettag $0x1  }
0x1: {  	s1 =	rddreg [dreg:$0x0]  }
0x2: {  	s6 =	rddreg [dreg:$0x1]  }
0x3: {  	s2 =	rddreg [dreg:$0x2];
	s3 =	srdreg.scid  }
0x4: {  	s0 =	rddreg [dreg:$0x3];
	s4 =	simm.s32 $0x0;
	s15 =	simm.s32 $0x1400  }
0x5: {  	s16 =	simm.s32 $0x80;
	s17 =	simm.s32 $0x16800;
	s18 =	simm.s32 $0x1A800  }
0x6: {  	s19 =	simm.s32 $0x1;
	s20 =	simm.s32 $0x2;
	s21 =	simm.s32 $0x2600  }
0x7: {  	s28 =	simm.s32 $0x0;
	s5 =	sand.u32 $0x1, s3;
	s3 =	stileid.u32  }
0x8: {  	[smem:$0x7FF] =	sst s4;
	s9 =	sadd.s32 $0xEA00, s6;
	s7 =	smul.u32 $0x140000, s5  }
0x9: {  	s10 =	sadd.s32 $0x2000, s6;
	s8 =	smul.u32 $0x14000, s3;
	_ =	strace $0x8000004A  }
0xa: {  	s22 =	sshll.u32 s5, $0x4;
	s11 =	ssub.s32 $0x2, s5;
	s24 =	smul.u32 $0x50000, s3  }
0xb: {  	s5 =	sadd.s32 $0xC200, s6;
	s26 =	sshll.u32 s3, $0x6;
	s23 =	sor.u32 s3, s22  }
0xc: {  	s12 =	sshrl.u32 s11, $0x1;
	s22 =	simm.s32 $0x1300;
	s7 =	sadd.s32 s8, s7  }
0xd: {  	s13 =	smul.u32 $0x2800, s23;
	s12 =	ssub.s32 s11, s12;
	s25 =	sshrl.u32 s24, $0x2  }
0xe: {  	s23 =	simm.s32 $0x2680;
	s24 =	simm.s32 $0x1380;
	s7 =	sshrl.u32 s7, $0x3  }
0xf: {  	s30 =	sadd.s32 s25, s2;
	s12 =	smax.u32 s12, $0x1;
	s25 =	simm.s32 $0x2700  }
0x10: {  	s14 =	sadd.s32 s7, s6;
	s29 =	sshrl.u32 s13, $0x3;
	s6 =	sor.u32 $0x1C03, s26  }
0x11: {  	s13 =	sshrl.u32 s30, $0x3;
	s26 =	simm.s32 $0x2780;
	s31 =	sadd.s32 $0x280, s29  }
0x12: {  	s7 =	sadd.s32 s9, s29;
	s8 =	sadd.s32 s10, s29;
	s11 =	sadd.s32 $0x18A00, s14  }
0x13: {  	s14 =	simm.s32 $0x3;
	s9 =	sadd.s32 s9, s31;
	s10 =	sadd.s32 s10, s31  }
.LBB2_1:
0x14: {  	[spmem:s13], [sflag:s6] =	dma.local [hbm:s5], $0x2800  }
0x15: {  	_ =	swait.ge [sflag:s14], $0x2800  }
0x16: {  	[sflag:s14] =	ssyncset.done $0x0  }
0x17: {  	[sflag:s14] =	ssyncadd.s32 $0xFFFFD800  }
0x18: {  	[bflag:$0x0] =	sbarrier.arrive $0xFFFF  }
0x19: {  	[tilespmem:s4], [sflag:$0x3] =	stream.linear.gather [hbm4b:s7+s4], $0x1400, $0x38;
	[tilespmem:$0x1E800] =	vst v63  }
0x1a: {  	_ =	swait.ge [sflag:s14], $0x1400  }
0x1b: {  	[sflag:s14] =	ssyncset.done $0x0  }
0x1c: {  	[sflag:s14] =	ssyncadd.s32 $0xFFFFEC00  }
0x1d: {  	[tilespmem:s15], [sflag:$0x3] =	stream.linear.gather [hbm4b:s8+s4], $0x1400, $0x38;
	[tilespmem:$0x1E800] =	vst v63  }
0x1e: {  	_ =	swait.ge [sflag:s14], $0x1400  }
0x1f: {  	[sflag:s14] =	ssyncset.done $0x0  }
0x20: {  	[sflag:s14] =	ssyncadd.s32 $0xFFFFEC00  }
0x21: {  	[tilespmem:s17], [sflag:$0x1] =	stream.indirect.gather [hbm4b:s1+s16], $0x80, s4, s16, $0xb8;
	[tilespmem:$0x1E800] =	vst v63  }
0x22: {  	_ = 	snop  }
0x23: {  	[tilespmem:s18], [sflag:$0x2] =	stream.indirect.gather [hbm4b:s1+s16], $0x80, s16, s16, $0xb8;
	[tilespmem:$0x1E800] =	vst v63  }
0x24: {  	_ =	swait.ge [sflag:s19], $0x4000  }
0x25: {  	[sflag:s19] =	ssyncset.done $0x0  }
0x26: {  	s29 =	simm.s32 $0x1400;
	[sflag:s19] =	ssyncadd.s32 $0xFFFFC000  }
0x27: {  	[spmem:s2] =	stream.indirect.scatter.add.f32 [tilespmem:s17], [sflag:$0x3], $0x80, s29, s16, $0xb8;
	[tilespmem:$0x1E800] =	vst v63  }
0x28: {  	_ =	swait.ge [sflag:s14], $0x4000  }
0x29: {  	[sflag:s14] =	ssyncset.done $0x0  }
0x2a: {  	s29 =	simm.s32 $0x100;
	[sflag:s14] =	ssyncadd.s32 $0xFFFFC000  }
0x2b: {  	[tilespmem:s17], [sflag:$0x1] =	stream.indirect.gather [hbm4b:s1+s16], $0x80, s29, s16, $0xb8;
	[tilespmem:$0x1E800] =	vst v63  }
0x2c: {  	_ =	swait.ge [sflag:s20], $0x4000  }
0x2d: {  	[sflag:s20] =	ssyncset.done $0x0  }
0x2e: {  	s29 =	simm.s32 $0x1480;
	[sflag:s20] =	ssyncadd.s32 $0xFFFFC000  }
0x2f: {  	[spmem:s2] =	stream.indirect.scatter.add.f32 [tilespmem:s18], [sflag:$0x3], $0x80, s29, s16, $0xb8;
	[tilespmem:$0x1E800] =	vst v63  }
0x30: {  	_ =	swait.ge [sflag:s14], $0x4000  }
0x31: {  	[sflag:s14] =	ssyncset.done $0x0  }
0x32: {  	s30 =	simm.s32 $0x180;
	s29 =	simm.s32 $0x400;
	[sflag:s14] =	ssyncadd.s32 $0xFFFFC000  }
.LBB2_2:
0x33: {  	[tilespmem:s18], [sflag:$0x2] =	stream.indirect.gather [hbm4b:s1+s16], $0x80, s30, s16, $0xb8;
	[tilespmem:$0x1E800] =	vst v63  }
0x34: {  	s30 =	smov.u32 s29  }
0x35: {  	p0 =	sne.s32 s29, $0x4400;
	s29 =	sadd.s32 $0x400, s29;
	_ =	swait.ge [sflag:s19], $0x4000  }
0x36: {  	s30 =	sshra.s32 s30, $0x2;
	[sflag:s19] =	ssyncset.done $0x0  }
0x37: {  	s31 =	sadd.s32 $0x1400, s30;
	[sflag:s19] =	ssyncadd.s32 $0xFFFFC000  }
0x38: {  	[spmem:s2] =	stream.indirect.scatter.add.f32 [tilespmem:s17], [sflag:$0x3], $0x80, s31, s16, $0xb8;
	[tilespmem:$0x1E800] =	vst v63  }
0x39: {  	_ =	swait.ge [sflag:s14], $0x4000  }
0x3a: {  	[sflag:s14] =	ssyncset.done $0x0  }
0x3b: {  	s31 =	sadd.s32 $0x100, s30;
	[sflag:s14] =	ssyncadd.s32 $0xFFFFC000  }
0x3c: {  	[tilespmem:s17], [sflag:$0x1] =	stream.indirect.gather [hbm4b:s1+s16], $0x80, s31, s16, $0xb8;
	[tilespmem:$0x1E800] =	vst v63  }
0x3d: {  	_ =	swait.ge [sflag:s20], $0x4000  }
0x3e: {  	[sflag:s20] =	ssyncset.done $0x0  }
.Ltmp0:
0x3f: {  	s31 =	sadd.s32 $0x1480, s30;
	[sflag:s20] =	ssyncadd.s32 $0xFFFFC000;
	(pc) =	sbr.rel @p0 .LBB2_2-.Ltmp0, $4  }
0x40: {  	[spmem:s2] =	stream.indirect.scatter.add.f32 [tilespmem:s18], [sflag:$0x3], $0x80, s31, s16, $0xb8;
	[tilespmem:$0x1E800] =	vst v63  }
0x41: {  	_ =	swait.ge [sflag:s14], $0x4000  }
0x42: {  	[sflag:s14] =	ssyncset.done $0x0  }
0x43: {  	s30 =	sadd.s32 $0x180, s30;
	[sflag:s14] =	ssyncadd.s32 $0xFFFFC000  }
0x44: {  	[tilespmem:s18], [sflag:$0x2] =	stream.indirect.gather [hbm4b:s1+s16], $0x80, s30, s16, $0xb8;
	[tilespmem:$0x1E800] =	vst v63  }
0x45: {  	_ =	swait.ge [sflag:s19], $0x4000  }
0x46: {  	[sflag:s19] =	ssyncset.done $0x0  }
0x47: {  	[sflag:s19] =	ssyncadd.s32 $0xFFFFC000  }
0x48: {  	[spmem:s2] =	stream.indirect.scatter.add.f32 [tilespmem:s17], [sflag:$0x3], $0x80, s21, s16, $0xb8;
	[tilespmem:$0x1E800] =	vst v63  }
0x49: {  	_ =	swait.ge [sflag:s14], $0x4000  }
0x4a: {  	[sflag:s14] =	ssyncset.done $0x0  }
0x4b: {  	[sflag:s14] =	ssyncadd.s32 $0xFFFFC000  }
0x4c: {  	[tilespmem:s17], [sflag:$0x1] =	stream.indirect.gather [hbm4b:s1+s16], $0x80, s22, s16, $0xb8;
	[tilespmem:$0x1E800] =	vst v63  }
0x4d: {  	_ =	swait.ge [sflag:s20], $0x4000  }
0x4e: {  	[sflag:s20] =	ssyncset.done $0x0  }
0x4f: {  	[sflag:s20] =	ssyncadd.s32 $0xFFFFC000  }
0x50: {  	[spmem:s2] =	stream.indirect.scatter.add.f32 [tilespmem:s18], [sflag:$0x3], $0x80, s23, s16, $0xb8;
	[tilespmem:$0x1E800] =	vst v63  }
0x51: {  	_ =	swait.ge [sflag:s14], $0x4000  }
0x52: {  	[sflag:s14] =	ssyncset.done $0x0  }
0x53: {  	[sflag:s14] =	ssyncadd.s32 $0xFFFFC000  }
0x54: {  	[tilespmem:s18], [sflag:$0x2] =	stream.indirect.gather [hbm4b:s1+s16], $0x80, s24, s16, $0xb8;
	[tilespmem:$0x1E800] =	vst v63  }
0x55: {  	_ =	swait.ge [sflag:s19], $0x4000  }
0x56: {  	[sflag:s19] =	ssyncset.done $0x0  }
0x57: {  	[sflag:s19] =	ssyncadd.s32 $0xFFFFC000  }
0x58: {  	[spmem:s2] =	stream.indirect.scatter.add.f32 [tilespmem:s17], [sflag:$0x3], $0x80, s25, s16, $0xb8;
	[tilespmem:$0x1E800] =	vst v63  }
0x59: {  	_ =	swait.ge [sflag:s14], $0x4000  }
0x5a: {  	[sflag:s14] =	ssyncset.done $0x0  }
0x5b: {  	[sflag:s14] =	ssyncadd.s32 $0xFFFFC000  }
0x5c: {  	[tilespmem:s17], [sflag:$0x1] =	stream.indirect.gather [hbm4b:s1+s16], $0x80, s24, s16, $0xb8;
	[tilespmem:$0x1E800] =	vst v63  }
0x5d: {  	_ =	swait.ge [sflag:s20], $0x4000  }
0x5e: {  	[sflag:s20] =	ssyncset.done $0x0  }
0x5f: {  	[sflag:s20] =	ssyncadd.s32 $0xFFFFC000  }
0x60: {  	[spmem:s2] =	stream.indirect.scatter.add.f32 [tilespmem:s18], [sflag:$0x3], $0x80, s26, s16, $0xb8;
	[tilespmem:$0x1E800] =	vst v63  }
0x61: {  	_ =	swait.ge [sflag:s14], $0x4000  }
0x62: {  	[sflag:s14] =	ssyncset.done $0x0  }
0x63: {  	[sflag:s14] =	ssyncadd.s32 $0xFFFFC000  }
0x64: {  	[tilespmem:s18], [sflag:$0x2] =	stream.indirect.gather [hbm4b:s1+s16], $0x80, s24, s16, $0xb8;
	[tilespmem:$0x1E800] =	vst v63  }
0x65: {  	_ =	swait.ge [sflag:s19], $0x4000  }
0x66: {  	[sflag:s19] =	ssyncset.done $0x0  }
0x67: {  	[sflag:s19] =	ssyncadd.s32 $0xFFFFC000  }
0x68: {  	_ =	swait.ge [sflag:s20], $0x4000  }
0x69: {  	[sflag:s20] =	ssyncset.done $0x0  }
0x6a: {  	s29 =	simm.s32 $0x0;
	[sflag:s20] =	ssyncadd.s32 $0xFFFFC000  }
0x6b: {  	[tilespmem:s29], [sflag:$0x3] =	stream.linear.gather [hbm4b:s9+s29], $0x1400, $0x38;
	[tilespmem:$0x1E800] =	vst v63  }
0x6c: {  	_ =	swait.ge [sflag:s14], $0x1400  }
0x6d: {  	[sflag:s14] =	ssyncset.done $0x0  }
0x6e: {  	[sflag:s14] =	ssyncadd.s32 $0xFFFFEC00  }
0x6f: {  	[tilespmem:s15], [sflag:$0x3] =	stream.linear.gather [hbm4b:s10+s29], $0x1400, $0x38;
	[tilespmem:$0x1E800] =	vst v63  }
0x70: {  	_ =	swait.ge [sflag:s14], $0x1400  }
0x71: {  	[sflag:s14] =	ssyncset.done $0x0  }
0x72: {  	[sflag:s14] =	ssyncadd.s32 $0xFFFFEC00  }
0x73: {  	[tilespmem:s17], [sflag:$0x1] =	stream.indirect.gather [hbm4b:s1+s16], $0x80, s29, s16, $0xb8;
	[tilespmem:$0x1E800] =	vst v63  }
0x74: {  	_ = 	snop  }
0x75: {  	[tilespmem:s18], [sflag:$0x2] =	stream.indirect.gather [hbm4b:s1+s16], $0x80, s16, s16, $0xb8;
	[tilespmem:$0x1E800] =	vst v63  }
0x76: {  	_ =	swait.ge [sflag:s19], $0x4000  }
0x77: {  	[sflag:s19] =	ssyncset.done $0x0  }
0x78: {  	s29 =	simm.s32 $0x1400;
	[sflag:s19] =	ssyncadd.s32 $0xFFFFC000  }
0x79: {  	[spmem:s2] =	stream.indirect.scatter.add.f32 [tilespmem:s17], [sflag:$0x3], $0x80, s29, s16, $0xb8;
	[tilespmem:$0x1E800] =	vst v63  }
0x7a: {  	_ =	swait.ge [sflag:s14], $0x4000  }
0x7b: {  	[sflag:s14] =	ssyncset.done $0x0  }
0x7c: {  	s29 =	simm.s32 $0x100;
	[sflag:s14] =	ssyncadd.s32 $0xFFFFC000  }
0x7d: {  	[tilespmem:s17], [sflag:$0x1] =	stream.indirect.gather [hbm4b:s1+s16], $0x80, s29, s16, $0xb8;
	[tilespmem:$0x1E800] =	vst v63  }
0x7e: {  	_ =	swait.ge [sflag:s20], $0x4000  }
0x7f: {  	[sflag:s20] =	ssyncset.done $0x0  }
0x80: {  	s29 =	simm.s32 $0x1480;
	[sflag:s20] =	ssyncadd.s32 $0xFFFFC000  }
0x81: {  	[spmem:s2] =	stream.indirect.scatter.add.f32 [tilespmem:s18], [sflag:$0x3], $0x80, s29, s16, $0xb8;
	[tilespmem:$0x1E800] =	vst v63  }
0x82: {  	_ =	swait.ge [sflag:s14], $0x4000  }
0x83: {  	[sflag:s14] =	ssyncset.done $0x0  }
0x84: {  	s30 =	simm.s32 $0x180;
	s29 =	simm.s32 $0x400;
	[sflag:s14] =	ssyncadd.s32 $0xFFFFC000  }
.LBB2_4:
0x85: {  	[tilespmem:s18], [sflag:$0x2] =	stream.indirect.gather [hbm4b:s1+s16], $0x80, s30, s16, $0xb8;
	[tilespmem:$0x1E800] =	vst v63  }
0x86: {  	s30 =	smov.u32 s29  }
0x87: {  	p0 =	sne.s32 s29, $0x4400;
	s29 =	sadd.s32 $0x400, s29;
	_ =	swait.ge [sflag:s19], $0x4000  }
0x88: {  	s30 =	sshra.s32 s30, $0x2;
	[sflag:s19] =	ssyncset.done $0x0  }
0x89: {  	s31 =	sadd.s32 $0x1400, s30;
	[sflag:s19] =	ssyncadd.s32 $0xFFFFC000  }
0x8a: {  	[spmem:s2] =	stream.indirect.scatter.add.f32 [tilespmem:s17], [sflag:$0x3], $0x80, s31, s16, $0xb8;
	[tilespmem:$0x1E800] =	vst v63  }
0x8b: {  	_ =	swait.ge [sflag:s14], $0x4000  }
0x8c: {  	[sflag:s14] =	ssyncset.done $0x0  }
0x8d: {  	s31 =	sadd.s32 $0x100, s30;
	[sflag:s14] =	ssyncadd.s32 $0xFFFFC000  }
0x8e: {  	[tilespmem:s17], [sflag:$0x1] =	stream.indirect.gather [hbm4b:s1+s16], $0x80, s31, s16, $0xb8;
	[tilespmem:$0x1E800] =	vst v63  }
0x8f: {  	_ =	swait.ge [sflag:s20], $0x4000  }
0x90: {  	[sflag:s20] =	ssyncset.done $0x0  }
.Ltmp1:
0x91: {  	s31 =	sadd.s32 $0x1480, s30;
	[sflag:s20] =	ssyncadd.s32 $0xFFFFC000;
	(pc) =	sbr.rel @p0 .LBB2_4-.Ltmp1, $4  }
0x92: {  	[spmem:s2] =	stream.indirect.scatter.add.f32 [tilespmem:s18], [sflag:$0x3], $0x80, s31, s16, $0xb8;
	[tilespmem:$0x1E800] =	vst v63  }
0x93: {  	_ =	swait.ge [sflag:s14], $0x4000  }
0x94: {  	[sflag:s14] =	ssyncset.done $0x0  }
0x95: {  	s30 =	sadd.s32 $0x180, s30;
	[sflag:s14] =	ssyncadd.s32 $0xFFFFC000  }
0x96: {  	[tilespmem:s18], [sflag:$0x2] =	stream.indirect.gather [hbm4b:s1+s16], $0x80, s30, s16, $0xb8;
	[tilespmem:$0x1E800] =	vst v63  }
0x97: {  	_ =	swait.ge [sflag:s19], $0x4000  }
0x98: {  	[sflag:s19] =	ssyncset.done $0x0  }
0x99: {  	[sflag:s19] =	ssyncadd.s32 $0xFFFFC000  }
0x9a: {  	[spmem:s2] =	stream.indirect.scatter.add.f32 [tilespmem:s17], [sflag:$0x3], $0x80, s21, s16, $0xb8;
	[tilespmem:$0x1E800] =	vst v63  }
0x9b: {  	_ =	swait.ge [sflag:s14], $0x4000  }
0x9c: {  	[sflag:s14] =	ssyncset.done $0x0  }
0x9d: {  	[sflag:s14] =	ssyncadd.s32 $0xFFFFC000  }
0x9e: {  	[tilespmem:s17], [sflag:$0x1] =	stream.indirect.gather [hbm4b:s1+s16], $0x80, s22, s16, $0xb8;
	[tilespmem:$0x1E800] =	vst v63  }
0x9f: {  	_ =	swait.ge [sflag:s20], $0x4000  }
0xa0: {  	[sflag:s20] =	ssyncset.done $0x0  }
0xa1: {  	[sflag:s20] =	ssyncadd.s32 $0xFFFFC000  }
0xa2: {  	[spmem:s2] =	stream.indirect.scatter.add.f32 [tilespmem:s18], [sflag:$0x3], $0x80, s23, s16, $0xb8;
	[tilespmem:$0x1E800] =	vst v63  }
0xa3: {  	_ =	swait.ge [sflag:s14], $0x4000  }
0xa4: {  	[sflag:s14] =	ssyncset.done $0x0  }
0xa5: {  	[sflag:s14] =	ssyncadd.s32 $0xFFFFC000  }
0xa6: {  	[tilespmem:s18], [sflag:$0x2] =	stream.indirect.gather [hbm4b:s1+s16], $0x80, s24, s16, $0xb8;
	[tilespmem:$0x1E800] =	vst v63  }
0xa7: {  	_ =	swait.ge [sflag:s19], $0x4000  }
0xa8: {  	[sflag:s19] =	ssyncset.done $0x0  }
0xa9: {  	[sflag:s19] =	ssyncadd.s32 $0xFFFFC000  }
0xaa: {  	[spmem:s2] =	stream.indirect.scatter.add.f32 [tilespmem:s17], [sflag:$0x3], $0x80, s25, s16, $0xb8;
	[tilespmem:$0x1E800] =	vst v63  }
0xab: {  	_ =	swait.ge [sflag:s14], $0x4000  }
0xac: {  	[sflag:s14] =	ssyncset.done $0x0  }
0xad: {  	[sflag:s14] =	ssyncadd.s32 $0xFFFFC000  }
0xae: {  	[tilespmem:s17], [sflag:$0x1] =	stream.indirect.gather [hbm4b:s1+s16], $0x80, s24, s16, $0xb8;
	[tilespmem:$0x1E800] =	vst v63  }
0xaf: {  	_ =	swait.ge [sflag:s20], $0x4000  }
0xb0: {  	[sflag:s20] =	ssyncset.done $0x0  }
0xb1: {  	[sflag:s20] =	ssyncadd.s32 $0xFFFFC000  }
0xb2: {  	[spmem:s2] =	stream.indirect.scatter.add.f32 [tilespmem:s18], [sflag:$0x3], $0x80, s26, s16, $0xb8;
	[tilespmem:$0x1E800] =	vst v63  }
0xb3: {  	_ =	swait.ge [sflag:s14], $0x4000  }
0xb4: {  	[sflag:s14] =	ssyncset.done $0x0  }
0xb5: {  	[sflag:s14] =	ssyncadd.s32 $0xFFFFC000  }
0xb6: {  	[tilespmem:s18], [sflag:$0x2] =	stream.indirect.gather [hbm4b:s1+s16], $0x80, s24, s16, $0xb8;
	[tilespmem:$0x1E800] =	vst v63  }
0xb7: {  	_ =	swait.ge [sflag:s19], $0x4000  }
0xb8: {  	[sflag:s19] =	ssyncset.done $0x0  }
0xb9: {  	[sflag:s19] =	ssyncadd.s32 $0xFFFFC000  }
0xba: {  	_ =	swait.ge [sflag:s20], $0x4000  }
0xbb: {  	s28 =	sadd.s32 $0x1, s28;
	[sflag:s20] =	ssyncset.done $0x0  }
0xbc: {  	p0 =	sne.s32 s28, s12;
	[sflag:s20] =	ssyncadd.s32 $0xFFFFC000  }
.Ltmp2:
0xbd: {  	[bflag:$0x0] =	sbarrier.arrive $0xFFFF;
	(pc) =	sbr.rel @p0 .LBB2_1-.Ltmp2, $4  }
0xbe: {  	[hbm:s11], [sflag:s6] =	dma.local [spmem:s13], $0x2800  }
0xbf: {  	_ =	swait.ge [sflag:s14], $0x2800  }
0xc0: {  	[sflag:s14] =	ssyncset.done $0x0  }
0xc1: {  	[sflag:s14] =	ssyncadd.s32 $0xFFFFD800  }
0xc2: {  	_ =	sfence.sel $0x180000  }
0xc3: {  	[bflag:$0x0] =	sbarrier.arrive $0xFFFF  }
0xc4: {  	p0 =	sne.s32 s3, $0x0;
	_ =	strace $0x9000004A  }
0xc5: {  	s0 =	sadd.s32 @!p0 $0x100000, s0;
	[bflag:$0x2] =	sbarrier.arrive $0xFFFF  }
0xc6: {  	[sflag:s0] =	ssyncadd.tile.s32 @!p0 $0x1;
	_ =	shalt  }
.Lfunc_end2:
_tile_overlayer_lowered:
.L_overlay_start_2:
0xc7: {  	(tag) =	ssettag $0x2  }
0xc8: {  	s0 =	rddreg [dreg:$0x0];
	s2 =	stileid.u32  }
0xc9: {  	s1 =	rddreg [dreg:$0x1];
	p0 =	sne.s32 s2, $0x0  }
0xca: {  	s3 =	rddreg [dreg:$0x2];
	[bflag:$0x3] =	sbarrier.arrive $0xFFFF;
	s2 =	simm.s32 @!p0 $0x1C03  }
0xcb: {  	[timem:s3], [sflag:s2] =	dma.local @!p0 [hbm:s0], s1  }
0xcc: {  	s0 =	simm.s32 @!p0 $0x3  }
0xcd: {  	_ =	swait.ge @!p0 [sflag:s0], s1  }
0xce: {  	s1 =	ssub.s32 @!p0 $0x0, s1;
	[sflag:s0] =	ssyncset.done @!p0 $0x0  }
0xcf: {  	[sflag:s0] =	ssyncadd.s32 @!p0 s1  }
0xd0: {  	[bflag:$0x3] =	sbarrier.arrive $0xFFFF  }
0xd1: {  	_ =	shalt  }

// kernel: kernel.15.cloned.1.call-start
scs
__scs_entry_jumppad:
0x0: {  	(pc) =	sbr.rel $0x88, $3  }
0x1: {  	(tag) =	ssettag $0x0;
	lr =	simm.s32 $0x1  }
0x2: {  	[smem:$0x3F9B] =	sst lr;
	_ =	strace $0xD0000000  }
0x3: {  	_ = 	snop  }
0x4: {  	_ = 	snop  }
0x5: {  	_ = 	snop  }
0x6: {  	_ = 	snop  }
0x7: {  	_ = 	snop  }
__scs_overlays_trampoline_lowered:
0x8: {  	[smem:$0x3FAA] =	sst s0  }
0x9: {  	[smem:$0x3FAB] =	sst s1  }
0xa: {  	[smem:$0x3FAC] =	sst s2  }
0xb: {  	[smem:$0x3FAD] =	sst s3  }
0xc: {  	[smem:$0x3FAE] =	sst s4  }
0xd: {  	[smem:$0x3FAF] =	sst s5  }
0xe: {  	[smem:$0x3FB0] =	sst s6  }
0xf: {  	[smem:$0x3FB1] =	sst s7  }
0x10: {  	[smem:$0x3FB2] =	sst s8  }
0x11: {  	[smem:$0x3FB3] =	sst s9;
	s0 =	simm.s32 @!p0 $0x0  }
0x12: {  	s1 =	sld [smem:$0x3F99];
	s0 =	simm.s32 @p0 $0x1  }
0x13: {  	[smem:$0x3FB4] =	sst s0;
	s0 =	simm.s32 @!p1 $0x0  }
0x14: {  	s2 =	sld [smem:$0x3F98];
	s0 =	simm.s32 @p1 $0x1  }
0x15: {  	[smem:$0x3FB5] =	sst s0;
	s0 =	simm.s32 @!p2 $0x0  }
0x16: {  	s3 =	sld [smem:$0x3FDB];
	s0 =	simm.s32 @p2 $0x1  }
0x17: {  	s4 =	simm.s32 $0x1BF5;
	[smem:$0x3FB7] =	sst s0  }
0x18: {  	s0 =	sld [smem:$0x3F9A];
	_ =	swait.ge [sflag:s4], $0x0  }
0x19: {  	s7 =	sld [smem:$0x3F9B]  }
0x1a: {  	s8 =	sadd.s32 $0xFFFFE003, lr  }
0x1b: {  	s9 =	sadd.s32 $0xFFFFFEF7, lr;
	s5 =	simm.s32 $0xFFFFFFFF;
	p2 =	slt.u32 s8, $0xFFFFF086  }
0x1c: {  	p1 =	slt.u32 s9, $0xF7A;
	s5 =	simm.s32 @!p2 $0x0  }
0x1d: {  	s5 =	simm.s32 @p1 $0x1;
	p0 =	seq.s32 s7, s2  }
0x1e: {  	s7 =	smul.u32 @!p0 $0xF7A, s2;
	p2 =	seq.s32 @!p0 s5, $0x0  }
0x1f: {  	s9 =	smul.u32 $0xF7A, s1;
	s8 =	simm.s32 @!p0 $0x1BF5;
	p2 =	por !p2, p0  }
0x20: {  	[sflag:s8] =	ssyncset.s32 @!p0 $0xFFFFF086;
	s6 =	sadd.s32 @!p0 s3, s7;
	s7 =	simm.s32 @!p0 $0x108  }
0x21: {  	s3 =	sadd.s32 s3, s9;
	s6 =	sadd.s32 @!p0 $0x88, s6;
	s7 =	simm.s32 @p2 $0x1082  }
0x22: {  	[simem:s7], [sflag:s8] =	dma.local @!p0 [hbm:s6], $0xF7A  }
0x23: {  	s9 =	sor.u32 $0xD0000000, s2;
	s6 =	simm.s32 $0x108;
	_ =	swait.ge @!p0 [sflag:s8], $0x0  }
0x24: {  	s3 =	sadd.s32 $0x88, s3;
	s6 =	simm.s32 @!p1 $0x1082;
	[sflag:s4] =	ssyncset.s32 $0xFFFFF086  }
0x25: {  	[simem:s6], [sflag:s4] =	dma.local [hbm:s3], $0xF7A  }
0x26: {  	[smem:$0x3F9B] =	sst s1;
	(tag) =	ssettag s2;
	_ =	strace s9  }
0x27: {  	s1 =	sld [smem:$0x3FAB]  }
0x28: {  	s2 =	sld [smem:$0x3FAC]  }
0x29: {  	s4 =	sld [smem:$0x3FAE]  }
0x2a: {  	p0 =	seq.s32 s5, $0x0;
	s5 =	sld [smem:$0x3FAF]  }
0x2b: {  	s6 =	sld [smem:$0x3FB0]  }
0x2c: {  	s7 =	sld [smem:$0x3FB1]  }
0x2d: {  	s3 =	simm.s32 $0x108;
	s8 =	sld [smem:$0x3FB2]  }
0x2e: {  	s3 =	simm.s32 @!p0 $0x1082;
	s9 =	sld [smem:$0x3FB3]  }
0x2f: {  	lr =	sadd.s32 s0, s3;
	s0 =	sld [smem:$0x3FAA]  }
0x30: {  	s3 =	sld [smem:$0x3FAD]  }
0x31: {  	[smem:$0x3FB6] =	sst s10  }
0x32: {  	s10 =	sld [smem:$0x3FB4];
	_ =	sdelay $0x3  }
0x33: {  	p0 =	seq.s32 s10, $0x1;
	s10 =	sld [smem:$0x3FB6];
	_ =	sdelay $0x3  }
0x34: {  	[smem:$0x3FB6] =	sst s10  }
0x35: {  	s10 =	sld [smem:$0x3FB5];
	_ =	sdelay $0x3  }
0x36: {  	p1 =	seq.s32 s10, $0x1;
	s10 =	sld [smem:$0x3FB6];
	_ =	sdelay $0x3  }
0x37: {  	[smem:$0x3FB6] =	sst s10  }
0x38: {  	s10 =	sld [smem:$0x3FB7]  }
0x39: {  	_ = 	snop;
	(pc) =	sbr.ind lr, $3  }
0x3a: {  	_ = 	snop  }
0x3b: {  	_ = 	snop  }
0x3c: {  	p2 =	seq.s32 s10, $0x1;
	s10 =	sld [smem:$0x3FB6]  }
0x3d: {  	_ =	shalt  }
0x3e: {  	_ =	shalt  }
0x3f: {  	_ =	shalt  }
0x40: {  	_ =	shalt  }
0x41: {  	_ =	shalt  }
0x42: {  	_ =	shalt  }
0x43: {  	_ =	shalt  }
0x44: {  	_ =	shalt  }
0x45: {  	_ =	shalt  }
0x46: {  	_ =	shalt  }
0x47: {  	_ =	shalt  }
0x48: {  	_ =	shalt  }
0x49: {  	_ =	shalt  }
0x4a: {  	_ =	shalt  }
0x4b: {  	_ =	shalt  }
0x4c: {  	_ =	shalt  }
0x4d: {  	_ =	shalt  }
0x4e: {  	_ =	shalt  }
0x4f: {  	_ =	shalt  }
0x50: {  	_ =	shalt  }
0x51: {  	_ =	shalt  }
0x52: {  	_ =	shalt  }
0x53: {  	_ =	shalt  }
0x54: {  	_ =	shalt  }
0x55: {  	_ =	shalt  }
0x56: {  	_ =	shalt  }
0x57: {  	_ =	shalt  }
0x58: {  	_ =	shalt  }
0x59: {  	_ =	shalt  }
0x5a: {  	_ =	shalt  }
0x5b: {  	_ =	shalt  }
0x5c: {  	_ =	shalt  }
0x5d: {  	_ =	shalt  }
0x5e: {  	_ =	shalt  }
0x5f: {  	_ =	shalt  }
0x60: {  	_ =	shalt  }
0x61: {  	_ =	shalt  }
0x62: {  	_ =	shalt  }
0x63: {  	_ =	shalt  }
0x64: {  	_ =	shalt  }
0x65: {  	_ =	shalt  }
0x66: {  	_ =	shalt  }
0x67: {  	_ =	shalt  }
0x68: {  	_ =	shalt  }
0x69: {  	_ =	shalt  }
0x6a: {  	_ =	shalt  }
0x6b: {  	_ =	shalt  }
0x6c: {  	_ =	shalt  }
0x6d: {  	_ =	shalt  }
0x6e: {  	_ =	shalt  }
0x6f: {  	_ =	shalt  }
0x70: {  	_ =	shalt  }
0x71: {  	_ =	shalt  }
0x72: {  	_ =	shalt  }
0x73: {  	_ =	shalt  }
0x74: {  	_ =	shalt  }
0x75: {  	_ =	shalt  }
0x76: {  	_ =	shalt  }
0x77: {  	_ =	shalt  }
0x78: {  	_ =	shalt  }
0x79: {  	_ =	shalt  }
0x7a: {  	_ =	shalt  }
0x7b: {  	_ =	shalt  }
0x7c: {  	_ =	shalt  }
0x7d: {  	_ =	shalt  }
0x7e: {  	_ =	shalt  }
0x7f: {  	_ =	shalt  }
0x80: {  	_ =	shalt  }
0x81: {  	_ =	shalt  }
0x82: {  	_ =	shalt  }
0x83: {  	_ =	shalt  }
0x84: {  	_ =	shalt  }
0x85: {  	_ =	shalt  }
0x86: {  	_ =	shalt  }
0x87: {  	_ =	shalt  }
.Lfunc_end0:
.L_simem_size_0:
called_computation.2_lowered:
.L_overlay_start_0:
0x88: {  	s2 =	sld [smem:$0x3FD9]  }
0x89: {  	s3 =	sld [smem:$0x3FFE];
	_ =	sdelay $0x1  }
0x8a: {  	s1 =	srdreg.scid  }
0x8b: {  	s0 =	sand.u32 $0x1, s1  }
0x8c: {  	s17 =	sshll.u32 s0, $0xA;
	s2 =	sadd.s32 s3, s2  }
0x8d: {  	s2 =	sadd.s32 s2, s17  }
0x8e: {  	[smem:$0x3FC2] =	sst s2  }
0x8f: {  	_ = 	snop  }
0x90: {  	s2 =	sld [smem:$0x3FD0];
	(tm) =	ssettm $0x1  }
0x91: {  	s18 =	sld [smem:$0x3FFB];
	_ =	sdelay $0x3  }
0x92: {  	_ =	strace s18  }
0x93: {  	s3 =	sld [smem:$0x3FFC];
	_ =	sdelay $0x3  }
0x94: {  	_ =	strace s3  }
0x95: {  	s3 =	sld [smem:$0x3FFD];
	_ =	sdelay $0x3  }
0x96: {  	_ =	strace s3  }
0x97: {  	_ =	strace $0x8FFFFFFF  }
0x98: {  	s19 =	sld [smem:$0x3FDB];
	_ =	sdelay $0x1  }
0x99: {  	s4 =	simm.s32 $_scs_section_size  }
0x9a: {  	s5 =	simm.s32 $_size__tile_overlayer_lowered;
	s6 =	simm.s32 $_tile_overlayer_lowered  }
0x9b: {  	s22 =	simm.s32 $0x1BFF;
	s21 =	sshll.u32 s6, $0x1;
	s3 =	sadd.s32 s4, s19  }
0x9c: {  	s7 =	simm.s32 $0x0;
	s20 =	sshll.u32 s5, $0x1;
	s5 =	sadd.s32 s21, s3  }
0x9d: {  	[timem:s7], [sflag:s22] =	dma.local [hbm:s5], s20  }
0x9e: {  	_ =	swait.ge [sflag:s22], s20  }
0x9f: {  	s4 =	ssub.s32 $0x0, s20;
	[sflag:s22] =	ssyncset.done $0x0  }
0xa0: {  	[sflag:s22] =	ssyncadd.s32 s4;
	_ =	sdelay $0x1  }
0xa1: {  	s23 =	simm.s32 $0x1B8B  }
0xa2: {  	_ =	swait.ge [sflag:s23], $0x1  }
0xa3: {  	[sflag:s23] =	ssyncset.done $0x0  }
0xa4: {  	s25 =	simm.s32 $0x1B8E;
	s24 =	sld [smem:$0x3FFE];
	[sflag:s23] =	ssyncadd.s32 $0xFFFFFFFF  }
0xa5: {  	s26 =	simm.s32 $execute0_lowered;
	[smem:$0x3FD2] =	sst s25  }
0xa6: {  	s5 =	sshll.u32 s26, $0x1;
	_ =	strace $0x8000004C;
	[dreg:$0x1] =	wrdreg $0xFFFFFFFF  }
0xa7: {  	s28 =	simm.s32 $_size_execute0_lowered;
	s3 =	sadd.s32 s3, s5;
	[dreg:$0x0] =	wrdreg $0x0  }
0xa8: {  	s5 =	sshll.u32 s28, $0x1;
	[dreg:$0x2] =	wrdreg s3  }
0xa9: {  	[dreg:$0x3] =	wrdreg s5  }
0xaa: {  	[dreg:$0x4] =	wrdreg $0xC0  }
0xab: {  	_ =	task [dreg:s7], $0x5FFFF  }
0xac: {  	[dreg:$0x1] =	wrdreg $0xFFFFFFFF  }
0xad: {  	[dreg:$0x0] =	wrdreg $0x60  }
0xae: {  	[dreg:$0x2] =	wrdreg s2  }
0xaf: {  	[dreg:$0x3] =	wrdreg s24  }
0xb0: {  	[dreg:$0x4] =	wrdreg $0x28000  }
0xb1: {  	[dreg:$0x5] =	wrdreg $0x9  }
0xb2: {  	_ =	task.clear_ibuf [dreg:s7], $0x6FFFF;
	_ =	strace $0x9000004C  }
0xb3: {  	s29 =	simm.s32 $0x9;
	_ =	strace $0x8000004E  }
0xb4: {  	_ =	swait.ge [sflag:s29], $0x1  }
0xb5: {  	[sflag:s29] =	ssyncadd.s32 $0xFFFFFFFF  }
0xb6: {  	_ =	strace $0x9000004E  }
0xb7: {  	_ =	sfence  }
0xb8: {  	s30 =	sld [smem:$0x0];
	_ =	sdelay $0x2  }
0xb9: {  	s31 =	sshll.u32 s1, $0xD;
	s1 =	sshrl.u32 s1, $0x2  }
0xba: {  	s3 =	sand.u32 $0x4000, s31;
	s1 =	sadd.s32 s1, s30  }
0xbb: {  	s0 =	sor.u32 s3, s0;
	s1 =	sshll.u32 s1, $0x11  }
0xbc: {  	s0 =	sor.u32 s1, s0  }
0xbd: {  	s0 =	sadd.s32 $0x8F2B, s0  }
0xbe: {  	[sflag:s0] =	ssyncadd.remote.s32 $0x1  }
0xbf: {  	_ =	sfence.sel $0xFFFF  }
0xc0: {  	[dreg:$0x0] =	wrdreg $0xFFFFFFFF;
	(pc) =	sbr.abs _section_cstart, $3  }
0xc1: {  	[dreg:$0x1] =	wrdreg $0xFFFFFFFF  }
0xc2: {  	_ =	task.clear_ibuf [dreg:s7], $0x2FFFF;
	_ =	strace $0x9FFFFFFF  }
0xc3: {  	(tm) =	ssettm $0x7FFFFFFF  }
tec
execute0_lowered:
.L_overlay_start_1:
0x0: {  	(tag) =	ssettag $0x1  }
0x1: {  	s1 =	rddreg [dreg:$0x0]  }
0x2: {  	s6 =	rddreg [dreg:$0x1]  }
0x3: {  	s2 =	rddreg [dreg:$0x2];
	s3 =	srdreg.scid  }
0x4: {  	s0 =	rddreg [dreg:$0x3];
	s4 =	simm.s32 $0x0;
	s15 =	simm.s32 $0x1400  }
0x5: {  	s16 =	simm.s32 $0x80;
	s17 =	simm.s32 $0x16800;
	s18 =	simm.s32 $0x1A800  }
0x6: {  	s19 =	simm.s32 $0x1;
	s20 =	simm.s32 $0x2;
	s21 =	simm.s32 $0x2600  }
0x7: {  	s28 =	simm.s32 $0x0;
	s5 =	sand.u32 $0x1, s3;
	s3 =	stileid.u32  }
0x8: {  	[smem:$0x7FF] =	sst s4;
	s9 =	sadd.s32 $0xEA00, s6;
	s7 =	smul.u32 $0x140000, s5  }
0x9: {  	s10 =	sadd.s32 $0x2000, s6;
	s8 =	smul.u32 $0x14000, s3;
	_ =	strace $0x8000004D  }
0xa: {  	s22 =	sshll.u32 s5, $0x4;
	s11 =	ssub.s32 $0x2, s5;
	s24 =	smul.u32 $0x50000, s3  }
0xb: {  	s5 =	sadd.s32 $0xC200, s6;
	s26 =	sshll.u32 s3, $0x6;
	s23 =	sor.u32 s3, s22  }
0xc: {  	s12 =	sshrl.u32 s11, $0x1;
	s22 =	simm.s32 $0x1300;
	s7 =	sadd.s32 s8, s7  }
0xd: {  	s13 =	smul.u32 $0x2800, s23;
	s12 =	ssub.s32 s11, s12;
	s25 =	sshrl.u32 s24, $0x2  }
0xe: {  	s23 =	simm.s32 $0x2680;
	s24 =	simm.s32 $0x1380;
	s7 =	sshrl.u32 s7, $0x3  }
0xf: {  	s30 =	sadd.s32 s25, s2;
	s12 =	smax.u32 s12, $0x1;
	s25 =	simm.s32 $0x2700  }
0x10: {  	s14 =	sadd.s32 s7, s6;
	s29 =	sshrl.u32 s13, $0x3;
	s6 =	sor.u32 $0x1C03, s26  }
0x11: {  	s13 =	sshrl.u32 s30, $0x3;
	s26 =	simm.s32 $0x2780;
	s31 =	sadd.s32 $0x280, s29  }
0x12: {  	s7 =	sadd.s32 s9, s29;
	s8 =	sadd.s32 s10, s29;
	s11 =	sadd.s32 $0x18A00, s14  }
0x13: {  	s14 =	simm.s32 $0x3;
	s9 =	sadd.s32 s9, s31;
	s10 =	sadd.s32 s10, s31  }
.LBB2_1:
0x14: {  	[spmem:s13], [sflag:s6] =	dma.local [hbm:s5], $0x2800  }
0x15: {  	_ =	swait.ge [sflag:s14], $0x2800  }
0x16: {  	[sflag:s14] =	ssyncset.done $0x0  }
0x17: {  	[sflag:s14] =	ssyncadd.s32 $0xFFFFD800  }
0x18: {  	[bflag:$0x0] =	sbarrier.arrive $0xFFFF  }
0x19: {  	[tilespmem:s4], [sflag:$0x3] =	stream.linear.gather [hbm4b:s7+s4], $0x1400, $0x38;
	[tilespmem:$0x1E800] =	vst v63  }
0x1a: {  	_ =	swait.ge [sflag:s14], $0x1400  }
0x1b: {  	[sflag:s14] =	ssyncset.done $0x0  }
0x1c: {  	[sflag:s14] =	ssyncadd.s32 $0xFFFFEC00  }
0x1d: {  	[tilespmem:s15], [sflag:$0x3] =	stream.linear.gather [hbm4b:s8+s4], $0x1400, $0x38;
	[tilespmem:$0x1E800] =	vst v63  }
0x1e: {  	_ =	swait.ge [sflag:s14], $0x1400  }
0x1f: {  	[sflag:s14] =	ssyncset.done $0x0  }
0x20: {  	[sflag:s14] =	ssyncadd.s32 $0xFFFFEC00  }
0x21: {  	[tilespmem:s17], [sflag:$0x1] =	stream.indirect.gather [hbm4b:s1+s16], $0x80, s4, s16, $0xb8;
	[tilespmem:$0x1E800] =	vst v63  }
0x22: {  	_ = 	snop  }
0x23: {  	[tilespmem:s18], [sflag:$0x2] =	stream.indirect.gather [hbm4b:s1+s16], $0x80, s16, s16, $0xb8;
	[tilespmem:$0x1E800] =	vst v63  }
0x24: {  	_ =	swait.ge [sflag:s19], $0x4000  }
0x25: {  	[sflag:s19] =	ssyncset.done $0x0  }
0x26: {  	s29 =	simm.s32 $0x1400;
	[sflag:s19] =	ssyncadd.s32 $0xFFFFC000  }
0x27: {  	[spmem:s2] =	stream.indirect.scatter.add.f32 [tilespmem:s17], [sflag:$0x3], $0x80, s29, s16, $0xb8;
	[tilespmem:$0x1E800] =	vst v63  }
0x28: {  	_ =	swait.ge [sflag:s14], $0x4000  }
0x29: {  	[sflag:s14] =	ssyncset.done $0x0  }
0x2a: {  	s29 =	simm.s32 $0x100;
	[sflag:s14] =	ssyncadd.s32 $0xFFFFC000  }
0x2b: {  	[tilespmem:s17], [sflag:$0x1] =	stream.indirect.gather [hbm4b:s1+s16], $0x80, s29, s16, $0xb8;
	[tilespmem:$0x1E800] =	vst v63  }
0x2c: {  	_ =	swait.ge [sflag:s20], $0x4000  }
0x2d: {  	[sflag:s20] =	ssyncset.done $0x0  }
0x2e: {  	s29 =	simm.s32 $0x1480;
	[sflag:s20] =	ssyncadd.s32 $0xFFFFC000  }
0x2f: {  	[spmem:s2] =	stream.indirect.scatter.add.f32 [tilespmem:s18], [sflag:$0x3], $0x80, s29, s16, $0xb8;
	[tilespmem:$0x1E800] =	vst v63  }
0x30: {  	_ =	swait.ge [sflag:s14], $0x4000  }
0x31: {  	[sflag:s14] =	ssyncset.done $0x0  }
0x32: {  	s30 =	simm.s32 $0x180;
	s29 =	simm.s32 $0x400;
	[sflag:s14] =	ssyncadd.s32 $0xFFFFC000  }
.LBB2_2:
0x33: {  	[tilespmem:s18], [sflag:$0x2] =	stream.indirect.gather [hbm4b:s1+s16], $0x80, s30, s16, $0xb8;
	[tilespmem:$0x1E800] =	vst v63  }
0x34: {  	s30 =	smov.u32 s29  }
0x35: {  	p0 =	sne.s32 s29, $0x4400;
	s29 =	sadd.s32 $0x400, s29;
	_ =	swait.ge [sflag:s19], $0x4000  }
0x36: {  	s30 =	sshra.s32 s30, $0x2;
	[sflag:s19] =	ssyncset.done $0x0  }
0x37: {  	s31 =	sadd.s32 $0x1400, s30;
	[sflag:s19] =	ssyncadd.s32 $0xFFFFC000  }
0x38: {  	[spmem:s2] =	stream.indirect.scatter.add.f32 [tilespmem:s17], [sflag:$0x3], $0x80, s31, s16, $0xb8;
	[tilespmem:$0x1E800] =	vst v63  }
0x39: {  	_ =	swait.ge [sflag:s14], $0x4000  }
0x3a: {  	[sflag:s14] =	ssyncset.done $0x0  }
0x3b: {  	s31 =	sadd.s32 $0x100, s30;
	[sflag:s14] =	ssyncadd.s32 $0xFFFFC000  }
0x3c: {  	[tilespmem:s17], [sflag:$0x1] =	stream.indirect.gather [hbm4b:s1+s16], $0x80, s31, s16, $0xb8;
	[tilespmem:$0x1E800] =	vst v63  }
0x3d: {  	_ =	swait.ge [sflag:s20], $0x4000  }
0x3e: {  	[sflag:s20] =	ssyncset.done $0x0  }
.Ltmp0:
0x3f: {  	s31 =	sadd.s32 $0x1480, s30;
	[sflag:s20] =	ssyncadd.s32 $0xFFFFC000;
	(pc) =	sbr.rel @p0 .LBB2_2-.Ltmp0, $4  }
0x40: {  	[spmem:s2] =	stream.indirect.scatter.add.f32 [tilespmem:s18], [sflag:$0x3], $0x80, s31, s16, $0xb8;
	[tilespmem:$0x1E800] =	vst v63  }
0x41: {  	_ =	swait.ge [sflag:s14], $0x4000  }
0x42: {  	[sflag:s14] =	ssyncset.done $0x0  }
0x43: {  	s30 =	sadd.s32 $0x180, s30;
	[sflag:s14] =	ssyncadd.s32 $0xFFFFC000  }
0x44: {  	[tilespmem:s18], [sflag:$0x2] =	stream.indirect.gather [hbm4b:s1+s16], $0x80, s30, s16, $0xb8;
	[tilespmem:$0x1E800] =	vst v63  }
0x45: {  	_ =	swait.ge [sflag:s19], $0x4000  }
0x46: {  	[sflag:s19] =	ssyncset.done $0x0  }
0x47: {  	[sflag:s19] =	ssyncadd.s32 $0xFFFFC000  }
0x48: {  	[spmem:s2] =	stream.indirect.scatter.add.f32 [tilespmem:s17], [sflag:$0x3], $0x80, s21, s16, $0xb8;
	[tilespmem:$0x1E800] =	vst v63  }
0x49: {  	_ =	swait.ge [sflag:s14], $0x4000  }
0x4a: {  	[sflag:s14] =	ssyncset.done $0x0  }
0x4b: {  	[sflag:s14] =	ssyncadd.s32 $0xFFFFC000  }
0x4c: {  	[tilespmem:s17], [sflag:$0x1] =	stream.indirect.gather [hbm4b:s1+s16], $0x80, s22, s16, $0xb8;
	[tilespmem:$0x1E800] =	vst v63  }
0x4d: {  	_ =	swait.ge [sflag:s20], $0x4000  }
0x4e: {  	[sflag:s20] =	ssyncset.done $0x0  }
0x4f: {  	[sflag:s20] =	ssyncadd.s32 $0xFFFFC000  }
0x50: {  	[spmem:s2] =	stream.indirect.scatter.add.f32 [tilespmem:s18], [sflag:$0x3], $0x80, s23, s16, $0xb8;
	[tilespmem:$0x1E800] =	vst v63  }
0x51: {  	_ =	swait.ge [sflag:s14], $0x4000  }
0x52: {  	[sflag:s14] =	ssyncset.done $0x0  }
0x53: {  	[sflag:s14] =	ssyncadd.s32 $0xFFFFC000  }
0x54: {  	[tilespmem:s18], [sflag:$0x2] =	stream.indirect.gather [hbm4b:s1+s16], $0x80, s24, s16, $0xb8;
	[tilespmem:$0x1E800] =	vst v63  }
0x55: {  	_ =	swait.ge [sflag:s19], $0x4000  }
0x56: {  	[sflag:s19] =	ssyncset.done $0x0  }
0x57: {  	[sflag:s19] =	ssyncadd.s32 $0xFFFFC000  }
0x58: {  	[spmem:s2] =	stream.indirect.scatter.add.f32 [tilespmem:s17], [sflag:$0x3], $0x80, s25, s16, $0xb8;
	[tilespmem:$0x1E800] =	vst v63  }
0x59: {  	_ =	swait.ge [sflag:s14], $0x4000  }
0x5a: {  	[sflag:s14] =	ssyncset.done $0x0  }
0x5b: {  	[sflag:s14] =	ssyncadd.s32 $0xFFFFC000  }
0x5c: {  	[tilespmem:s17], [sflag:$0x1] =	stream.indirect.gather [hbm4b:s1+s16], $0x80, s24, s16, $0xb8;
	[tilespmem:$0x1E800] =	vst v63  }
0x5d: {  	_ =	swait.ge [sflag:s20], $0x4000  }
0x5e: {  	[sflag:s20] =	ssyncset.done $0x0  }
0x5f: {  	[sflag:s20] =	ssyncadd.s32 $0xFFFFC000  }
0x60: {  	[spmem:s2] =	stream.indirect.scatter.add.f32 [tilespmem:s18], [sflag:$0x3], $0x80, s26, s16, $0xb8;
	[tilespmem:$0x1E800] =	vst v63  }
0x61: {  	_ =	swait.ge [sflag:s14], $0x4000  }
0x62: {  	[sflag:s14] =	ssyncset.done $0x0  }
0x63: {  	[sflag:s14] =	ssyncadd.s32 $0xFFFFC000  }
0x64: {  	[tilespmem:s18], [sflag:$0x2] =	stream.indirect.gather [hbm4b:s1+s16], $0x80, s24, s16, $0xb8;
	[tilespmem:$0x1E800] =	vst v63  }
0x65: {  	_ =	swait.ge [sflag:s19], $0x4000  }
0x66: {  	[sflag:s19] =	ssyncset.done $0x0  }
0x67: {  	[sflag:s19] =	ssyncadd.s32 $0xFFFFC000  }
0x68: {  	_ =	swait.ge [sflag:s20], $0x4000  }
0x69: {  	[sflag:s20] =	ssyncset.done $0x0  }
0x6a: {  	s29 =	simm.s32 $0x0;
	[sflag:s20] =	ssyncadd.s32 $0xFFFFC000  }
0x6b: {  	[tilespmem:s29], [sflag:$0x3] =	stream.linear.gather [hbm4b:s9+s29], $0x1400, $0x38;
	[tilespmem:$0x1E800] =	vst v63  }
0x6c: {  	_ =	swait.ge [sflag:s14], $0x1400  }
0x6d: {  	[sflag:s14] =	ssyncset.done $0x0  }
0x6e: {  	[sflag:s14] =	ssyncadd.s32 $0xFFFFEC00  }
0x6f: {  	[tilespmem:s15], [sflag:$0x3] =	stream.linear.gather [hbm4b:s10+s29], $0x1400, $0x38;
	[tilespmem:$0x1E800] =	vst v63  }
0x70: {  	_ =	swait.ge [sflag:s14], $0x1400  }
0x71: {  	[sflag:s14] =	ssyncset.done $0x0  }
0x72: {  	[sflag:s14] =	ssyncadd.s32 $0xFFFFEC00  }
0x73: {  	[tilespmem:s17], [sflag:$0x1] =	stream.indirect.gather [hbm4b:s1+s16], $0x80, s29, s16, $0xb8;
	[tilespmem:$0x1E800] =	vst v63  }
0x74: {  	_ = 	snop  }
0x75: {  	[tilespmem:s18], [sflag:$0x2] =	stream.indirect.gather [hbm4b:s1+s16], $0x80, s16, s16, $0xb8;
	[tilespmem:$0x1E800] =	vst v63  }
0x76: {  	_ =	swait.ge [sflag:s19], $0x4000  }
0x77: {  	[sflag:s19] =	ssyncset.done $0x0  }
0x78: {  	s29 =	simm.s32 $0x1400;
	[sflag:s19] =	ssyncadd.s32 $0xFFFFC000  }
0x79: {  	[spmem:s2] =	stream.indirect.scatter.add.f32 [tilespmem:s17], [sflag:$0x3], $0x80, s29, s16, $0xb8;
	[tilespmem:$0x1E800] =	vst v63  }
0x7a: {  	_ =	swait.ge [sflag:s14], $0x4000  }
0x7b: {  	[sflag:s14] =	ssyncset.done $0x0  }
0x7c: {  	s29 =	simm.s32 $0x100;
	[sflag:s14] =	ssyncadd.s32 $0xFFFFC000  }
0x7d: {  	[tilespmem:s17], [sflag:$0x1] =	stream.indirect.gather [hbm4b:s1+s16], $0x80, s29, s16, $0xb8;
	[tilespmem:$0x1E800] =	vst v63  }
0x7e: {  	_ =	swait.ge [sflag:s20], $0x4000  }
0x7f: {  	[sflag:s20] =	ssyncset.done $0x0  }
0x80: {  	s29 =	simm.s32 $0x1480;
	[sflag:s20] =	ssyncadd.s32 $0xFFFFC000  }
0x81: {  	[spmem:s2] =	stream.indirect.scatter.add.f32 [tilespmem:s18], [sflag:$0x3], $0x80, s29, s16, $0xb8;
	[tilespmem:$0x1E800] =	vst v63  }
0x82: {  	_ =	swait.ge [sflag:s14], $0x4000  }
0x83: {  	[sflag:s14] =	ssyncset.done $0x0  }
0x84: {  	s30 =	simm.s32 $0x180;
	s29 =	simm.s32 $0x400;
	[sflag:s14] =	ssyncadd.s32 $0xFFFFC000  }
.LBB2_4:
0x85: {  	[tilespmem:s18], [sflag:$0x2] =	stream.indirect.gather [hbm4b:s1+s16], $0x80, s30, s16, $0xb8;
	[tilespmem:$0x1E800] =	vst v63  }
0x86: {  	s30 =	smov.u32 s29  }
0x87: {  	p0 =	sne.s32 s29, $0x4400;
	s29 =	sadd.s32 $0x400, s29;
	_ =	swait.ge [sflag:s19], $0x4000  }
0x88: {  	s30 =	sshra.s32 s30, $0x2;
	[sflag:s19] =	ssyncset.done $0x0  }
0x89: {  	s31 =	sadd.s32 $0x1400, s30;
	[sflag:s19] =	ssyncadd.s32 $0xFFFFC000  }
0x8a: {  	[spmem:s2] =	stream.indirect.scatter.add.f32 [tilespmem:s17], [sflag:$0x3], $0x80, s31, s16, $0xb8;
	[tilespmem:$0x1E800] =	vst v63  }
0x8b: {  	_ =	swait.ge [sflag:s14], $0x4000  }
0x8c: {  	[sflag:s14] =	ssyncset.done $0x0  }
0x8d: {  	s31 =	sadd.s32 $0x100, s30;
	[sflag:s14] =	ssyncadd.s32 $0xFFFFC000  }
0x8e: {  	[tilespmem:s17], [sflag:$0x1] =	stream.indirect.gather [hbm4b:s1+s16], $0x80, s31, s16, $0xb8;
	[tilespmem:$0x1E800] =	vst v63  }
0x8f: {  	_ =	swait.ge [sflag:s20], $0x4000  }
0x90: {  	[sflag:s20] =	ssyncset.done $0x0  }
.Ltmp1:
0x91: {  	s31 =	sadd.s32 $0x1480, s30;
	[sflag:s20] =	ssyncadd.s32 $0xFFFFC000;
	(pc) =	sbr.rel @p0 .LBB2_4-.Ltmp1, $4  }
0x92: {  	[spmem:s2] =	stream.indirect.scatter.add.f32 [tilespmem:s18], [sflag:$0x3], $0x80, s31, s16, $0xb8;
	[tilespmem:$0x1E800] =	vst v63  }
0x93: {  	_ =	swait.ge [sflag:s14], $0x4000  }
0x94: {  	[sflag:s14] =	ssyncset.done $0x0  }
0x95: {  	s30 =	sadd.s32 $0x180, s30;
	[sflag:s14] =	ssyncadd.s32 $0xFFFFC000  }
0x96: {  	[tilespmem:s18], [sflag:$0x2] =	stream.indirect.gather [hbm4b:s1+s16], $0x80, s30, s16, $0xb8;
	[tilespmem:$0x1E800] =	vst v63  }
0x97: {  	_ =	swait.ge [sflag:s19], $0x4000  }
0x98: {  	[sflag:s19] =	ssyncset.done $0x0  }
0x99: {  	[sflag:s19] =	ssyncadd.s32 $0xFFFFC000  }
0x9a: {  	[spmem:s2] =	stream.indirect.scatter.add.f32 [tilespmem:s17], [sflag:$0x3], $0x80, s21, s16, $0xb8;
	[tilespmem:$0x1E800] =	vst v63  }
0x9b: {  	_ =	swait.ge [sflag:s14], $0x4000  }
0x9c: {  	[sflag:s14] =	ssyncset.done $0x0  }
0x9d: {  	[sflag:s14] =	ssyncadd.s32 $0xFFFFC000  }
0x9e: {  	[tilespmem:s17], [sflag:$0x1] =	stream.indirect.gather [hbm4b:s1+s16], $0x80, s22, s16, $0xb8;
	[tilespmem:$0x1E800] =	vst v63  }
0x9f: {  	_ =	swait.ge [sflag:s20], $0x4000  }
0xa0: {  	[sflag:s20] =	ssyncset.done $0x0  }
0xa1: {  	[sflag:s20] =	ssyncadd.s32 $0xFFFFC000  }
0xa2: {  	[spmem:s2] =	stream.indirect.scatter.add.f32 [tilespmem:s18], [sflag:$0x3], $0x80, s23, s16, $0xb8;
	[tilespmem:$0x1E800] =	vst v63  }
0xa3: {  	_ =	swait.ge [sflag:s14], $0x4000  }
0xa4: {  	[sflag:s14] =	ssyncset.done $0x0  }
0xa5: {  	[sflag:s14] =	ssyncadd.s32 $0xFFFFC000  }
0xa6: {  	[tilespmem:s18], [sflag:$0x2] =	stream.indirect.gather [hbm4b:s1+s16], $0x80, s24, s16, $0xb8;
	[tilespmem:$0x1E800] =	vst v63  }
0xa7: {  	_ =	swait.ge [sflag:s19], $0x4000  }
0xa8: {  	[sflag:s19] =	ssyncset.done $0x0  }
0xa9: {  	[sflag:s19] =	ssyncadd.s32 $0xFFFFC000  }
0xaa: {  	[spmem:s2] =	stream.indirect.scatter.add.f32 [tilespmem:s17], [sflag:$0x3], $0x80, s25, s16, $0xb8;
	[tilespmem:$0x1E800] =	vst v63  }
0xab: {  	_ =	swait.ge [sflag:s14], $0x4000  }
0xac: {  	[sflag:s14] =	ssyncset.done $0x0  }
0xad: {  	[sflag:s14] =	ssyncadd.s32 $0xFFFFC000  }
0xae: {  	[tilespmem:s17], [sflag:$0x1] =	stream.indirect.gather [hbm4b:s1+s16], $0x80, s24, s16, $0xb8;
	[tilespmem:$0x1E800] =	vst v63  }
0xaf: {  	_ =	swait.ge [sflag:s20], $0x4000  }
0xb0: {  	[sflag:s20] =	ssyncset.done $0x0  }
0xb1: {  	[sflag:s20] =	ssyncadd.s32 $0xFFFFC000  }
0xb2: {  	[spmem:s2] =	stream.indirect.scatter.add.f32 [tilespmem:s18], [sflag:$0x3], $0x80, s26, s16, $0xb8;
	[tilespmem:$0x1E800] =	vst v63  }
0xb3: {  	_ =	swait.ge [sflag:s14], $0x4000  }
0xb4: {  	[sflag:s14] =	ssyncset.done $0x0  }
0xb5: {  	[sflag:s14] =	ssyncadd.s32 $0xFFFFC000  }
0xb6: {  	[tilespmem:s18], [sflag:$0x2] =	stream.indirect.gather [hbm4b:s1+s16], $0x80, s24, s16, $0xb8;
	[tilespmem:$0x1E800] =	vst v63  }
0xb7: {  	_ =	swait.ge [sflag:s19], $0x4000  }
0xb8: {  	[sflag:s19] =	ssyncset.done $0x0  }
0xb9: {  	[sflag:s19] =	ssyncadd.s32 $0xFFFFC000  }
0xba: {  	_ =	swait.ge [sflag:s20], $0x4000  }
0xbb: {  	s28 =	sadd.s32 $0x1, s28;
	[sflag:s20] =	ssyncset.done $0x0  }
0xbc: {  	p0 =	sne.s32 s28, s12;
	[sflag:s20] =	ssyncadd.s32 $0xFFFFC000  }
.Ltmp2:
0xbd: {  	[bflag:$0x0] =	sbarrier.arrive $0xFFFF;
	(pc) =	sbr.rel @p0 .LBB2_1-.Ltmp2, $4  }
0xbe: {  	[hbm:s11], [sflag:s6] =	dma.local [spmem:s13], $0x2800  }
0xbf: {  	_ =	swait.ge [sflag:s14], $0x2800  }
0xc0: {  	[sflag:s14] =	ssyncset.done $0x0  }
0xc1: {  	[sflag:s14] =	ssyncadd.s32 $0xFFFFD800  }
0xc2: {  	_ =	sfence.sel $0x180000  }
0xc3: {  	[bflag:$0x0] =	sbarrier.arrive $0xFFFF  }
0xc4: {  	p0 =	sne.s32 s3, $0x0;
	_ =	strace $0x9000004D  }
0xc5: {  	s0 =	sadd.s32 @!p0 $0x100000, s0;
	[bflag:$0x2] =	sbarrier.arrive $0xFFFF  }
0xc6: {  	[sflag:s0] =	ssyncadd.tile.s32 @!p0 $0x1;
	_ =	shalt  }
.Lfunc_end2:
_tile_overlayer_lowered:
.L_overlay_start_2:
0xc7: {  	(tag) =	ssettag $0x2  }
0xc8: {  	s0 =	rddreg [dreg:$0x0];
	s2 =	stileid.u32  }
0xc9: {  	s1 =	rddreg [dreg:$0x1];
	p0 =	sne.s32 s2, $0x0  }
0xca: {  	s3 =	rddreg [dreg:$0x2];
	[bflag:$0x3] =	sbarrier.arrive $0xFFFF;
	s2 =	simm.s32 @!p0 $0x1C03  }
0xcb: {  	[timem:s3], [sflag:s2] =	dma.local @!p0 [hbm:s0], s1  }
0xcc: {  	s0 =	simm.s32 @!p0 $0x3  }
0xcd: {  	_ =	swait.ge @!p0 [sflag:s0], s1  }
0xce: {  	s1 =	ssub.s32 @!p0 $0x0, s1;
	[sflag:s0] =	ssyncset.done @!p0 $0x0  }
0xcf: {  	[sflag:s0] =	ssyncadd.s32 @!p0 s1  }
0xd0: {  	[bflag:$0x3] =	sbarrier.arrive $0xFFFF  }
0xd1: {  	_ =	shalt  }

// kernel: kernel.9.cloned.1.call-start
scs
__scs_entry_jumppad:
0x0: {  	(pc) =	sbr.rel $0x88, $3  }
0x1: {  	(tag) =	ssettag $0x0;
	lr =	simm.s32 $0x1  }
0x2: {  	[smem:$0x3F9B] =	sst lr;
	_ =	strace $0xD0000000  }
0x3: {  	_ = 	snop  }
0x4: {  	_ = 	snop  }
0x5: {  	_ = 	snop  }
0x6: {  	_ = 	snop  }
0x7: {  	_ = 	snop  }
__scs_overlays_trampoline_lowered:
0x8: {  	[smem:$0x3FAA] =	sst s0  }
0x9: {  	[smem:$0x3FAB] =	sst s1  }
0xa: {  	[smem:$0x3FAC] =	sst s2  }
0xb: {  	[smem:$0x3FAD] =	sst s3  }
0xc: {  	[smem:$0x3FAE] =	sst s4  }
0xd: {  	[smem:$0x3FAF] =	sst s5  }
0xe: {  	[smem:$0x3FB0] =	sst s6  }
0xf: {  	[smem:$0x3FB1] =	sst s7  }
0x10: {  	[smem:$0x3FB2] =	sst s8  }
0x11: {  	[smem:$0x3FB3] =	sst s9;
	s0 =	simm.s32 @!p0 $0x0  }
0x12: {  	s1 =	sld [smem:$0x3F99];
	s0 =	simm.s32 @p0 $0x1  }
0x13: {  	[smem:$0x3FB4] =	sst s0;
	s0 =	simm.s32 @!p1 $0x0  }
0x14: {  	s2 =	sld [smem:$0x3F98];
	s0 =	simm.s32 @p1 $0x1  }
0x15: {  	[smem:$0x3FB5] =	sst s0;
	s0 =	simm.s32 @!p2 $0x0  }
0x16: {  	s3 =	sld [smem:$0x3FDB];
	s0 =	simm.s32 @p2 $0x1  }
0x17: {  	s4 =	simm.s32 $0x1BF5;
	[smem:$0x3FB7] =	sst s0  }
0x18: {  	s0 =	sld [smem:$0x3F9A];
	_ =	swait.ge [sflag:s4], $0x0  }
0x19: {  	s7 =	sld [smem:$0x3F9B]  }
0x1a: {  	s8 =	sadd.s32 $0xFFFFE003, lr  }
0x1b: {  	s9 =	sadd.s32 $0xFFFFFEF7, lr;
	s5 =	simm.s32 $0xFFFFFFFF;
	p2 =	slt.u32 s8, $0xFFFFF086  }
0x1c: {  	p1 =	slt.u32 s9, $0xF7A;
	s5 =	simm.s32 @!p2 $0x0  }
0x1d: {  	s5 =	simm.s32 @p1 $0x1;
	p0 =	seq.s32 s7, s2  }
0x1e: {  	s7 =	smul.u32 @!p0 $0xF7A, s2;
	p2 =	seq.s32 @!p0 s5, $0x0  }
0x1f: {  	s9 =	smul.u32 $0xF7A, s1;
	s8 =	simm.s32 @!p0 $0x1BF5;
	p2 =	por !p2, p0  }
0x20: {  	[sflag:s8] =	ssyncset.s32 @!p0 $0xFFFFF086;
	s6 =	sadd.s32 @!p0 s3, s7;
	s7 =	simm.s32 @!p0 $0x108  }
0x21: {  	s3 =	sadd.s32 s3, s9;
	s6 =	sadd.s32 @!p0 $0x88, s6;
	s7 =	simm.s32 @p2 $0x1082  }
0x22: {  	[simem:s7], [sflag:s8] =	dma.local @!p0 [hbm:s6], $0xF7A  }
0x23: {  	s9 =	sor.u32 $0xD0000000, s2;
	s6 =	simm.s32 $0x108;
	_ =	swait.ge @!p0 [sflag:s8], $0x0  }
0x24: {  	s3 =	sadd.s32 $0x88, s3;
	s6 =	simm.s32 @!p1 $0x1082;
	[sflag:s4] =	ssyncset.s32 $0xFFFFF086  }
0x25: {  	[simem:s6], [sflag:s4] =	dma.local [hbm:s3], $0xF7A  }
0x26: {  	[smem:$0x3F9B] =	sst s1;
	(tag) =	ssettag s2;
	_ =	strace s9  }
0x27: {  	s1 =	sld [smem:$0x3FAB]  }
0x28: {  	s2 =	sld [smem:$0x3FAC]  }
0x29: {  	s4 =	sld [smem:$0x3FAE]  }
0x2a: {  	p0 =	seq.s32 s5, $0x0;
	s5 =	sld [smem:$0x3FAF]  }
0x2b: {  	s6 =	sld [smem:$0x3FB0]  }
0x2c: {  	s7 =	sld [smem:$0x3FB1]  }
0x2d: {  	s3 =	simm.s32 $0x108;
	s8 =	sld [smem:$0x3FB2]  }
0x2e: {  	s3 =	simm.s32 @!p0 $0x1082;
	s9 =	sld [smem:$0x3FB3]  }
0x2f: {  	lr =	sadd.s32 s0, s3;
	s0 =	sld [smem:$0x3FAA]  }
0x30: {  	s3 =	sld [smem:$0x3FAD]  }
0x31: {  	[smem:$0x3FB6] =	sst s10  }
0x32: {  	s10 =	sld [smem:$0x3FB4];
	_ =	sdelay $0x3  }
0x33: {  	p0 =	seq.s32 s10, $0x1;
	s10 =	sld [smem:$0x3FB6];
	_ =	sdelay $0x3  }
0x34: {  	[smem:$0x3FB6] =	sst s10  }
0x35: {  	s10 =	sld [smem:$0x3FB5];
	_ =	sdelay $0x3  }
0x36: {  	p1 =	seq.s32 s10, $0x1;
	s10 =	sld [smem:$0x3FB6];
	_ =	sdelay $0x3  }
0x37: {  	[smem:$0x3FB6] =	sst s10  }
0x38: {  	s10 =	sld [smem:$0x3FB7]  }
0x39: {  	_ = 	snop;
	(pc) =	sbr.ind lr, $3  }
0x3a: {  	_ = 	snop  }
0x3b: {  	_ = 	snop  }
0x3c: {  	p2 =	seq.s32 s10, $0x1;
	s10 =	sld [smem:$0x3FB6]  }
0x3d: {  	_ =	shalt  }
0x3e: {  	_ =	shalt  }
0x3f: {  	_ =	shalt  }
0x40: {  	_ =	shalt  }
0x41: {  	_ =	shalt  }
0x42: {  	_ =	shalt  }
0x43: {  	_ =	shalt  }
0x44: {  	_ =	shalt  }
0x45: {  	_ =	shalt  }
0x46: {  	_ =	shalt  }
0x47: {  	_ =	shalt  }
0x48: {  	_ =	shalt  }
0x49: {  	_ =	shalt  }
0x4a: {  	_ =	shalt  }
0x4b: {  	_ =	shalt  }
0x4c: {  	_ =	shalt  }
0x4d: {  	_ =	shalt  }
0x4e: {  	_ =	shalt  }
0x4f: {  	_ =	shalt  }
0x50: {  	_ =	shalt  }
0x51: {  	_ =	shalt  }
0x52: {  	_ =	shalt  }
0x53: {  	_ =	shalt  }
0x54: {  	_ =	shalt  }
0x55: {  	_ =	shalt  }
0x56: {  	_ =	shalt  }
0x57: {  	_ =	shalt  }
0x58: {  	_ =	shalt  }
0x59: {  	_ =	shalt  }
0x5a: {  	_ =	shalt  }
0x5b: {  	_ =	shalt  }
0x5c: {  	_ =	shalt  }
0x5d: {  	_ =	shalt  }
0x5e: {  	_ =	shalt  }
0x5f: {  	_ =	shalt  }
0x60: {  	_ =	shalt  }
0x61: {  	_ =	shalt  }
0x62: {  	_ =	shalt  }
0x63: {  	_ =	shalt  }
0x64: {  	_ =	shalt  }
0x65: {  	_ =	shalt  }
0x66: {  	_ =	shalt  }
0x67: {  	_ =	shalt  }
0x68: {  	_ =	shalt  }
0x69: {  	_ =	shalt  }
0x6a: {  	_ =	shalt  }
0x6b: {  	_ =	shalt  }
0x6c: {  	_ =	shalt  }
0x6d: {  	_ =	shalt  }
0x6e: {  	_ =	shalt  }
0x6f: {  	_ =	shalt  }
0x70: {  	_ =	shalt  }
0x71: {  	_ =	shalt  }
0x72: {  	_ =	shalt  }
0x73: {  	_ =	shalt  }
0x74: {  	_ =	shalt  }
0x75: {  	_ =	shalt  }
0x76: {  	_ =	shalt  }
0x77: {  	_ =	shalt  }
0x78: {  	_ =	shalt  }
0x79: {  	_ =	shalt  }
0x7a: {  	_ =	shalt  }
0x7b: {  	_ =	shalt  }
0x7c: {  	_ =	shalt  }
0x7d: {  	_ =	shalt  }
0x7e: {  	_ =	shalt  }
0x7f: {  	_ =	shalt  }
0x80: {  	_ =	shalt  }
0x81: {  	_ =	shalt  }
0x82: {  	_ =	shalt  }
0x83: {  	_ =	shalt  }
0x84: {  	_ =	shalt  }
0x85: {  	_ =	shalt  }
0x86: {  	_ =	shalt  }
0x87: {  	_ =	shalt  }
.Lfunc_end0:
.L_simem_size_0:
called_computation_lowered:
.L_overlay_start_0:
0x88: {  	s2 =	sld [smem:$0x3FD9]  }
0x89: {  	s3 =	sld [smem:$0x3FFE];
	_ =	sdelay $0x1  }
0x8a: {  	s1 =	srdreg.scid  }
0x8b: {  	s0 =	sand.u32 $0x1, s1  }
0x8c: {  	s17 =	sshll.u32 s0, $0xA;
	s2 =	sadd.s32 s3, s2  }
0x8d: {  	s2 =	sadd.s32 s2, s17  }
0x8e: {  	[smem:$0x3FC2] =	sst s2  }
0x8f: {  	_ = 	snop  }
0x90: {  	s2 =	sld [smem:$0x3FD0];
	(tm) =	ssettm $0x1  }
0x91: {  	s18 =	sld [smem:$0x3FFB];
	_ =	sdelay $0x3  }
0x92: {  	_ =	strace s18  }
0x93: {  	s3 =	sld [smem:$0x3FFC];
	_ =	sdelay $0x3  }
0x94: {  	_ =	strace s3  }
0x95: {  	s3 =	sld [smem:$0x3FFD];
	_ =	sdelay $0x3  }
0x96: {  	_ =	strace s3  }
0x97: {  	_ =	strace $0x8FFFFFFF  }
0x98: {  	s19 =	sld [smem:$0x3FDB];
	_ =	sdelay $0x1  }
0x99: {  	s4 =	simm.s32 $_scs_section_size  }
0x9a: {  	s5 =	simm.s32 $_size__tile_overlayer_lowered;
	s6 =	simm.s32 $_tile_overlayer_lowered  }
0x9b: {  	s22 =	simm.s32 $0x1BFF;
	s21 =	sshll.u32 s6, $0x1;
	s3 =	sadd.s32 s4, s19  }
0x9c: {  	s7 =	simm.s32 $0x0;
	s20 =	sshll.u32 s5, $0x1;
	s5 =	sadd.s32 s21, s3  }
0x9d: {  	[timem:s7], [sflag:s22] =	dma.local [hbm:s5], s20  }
0x9e: {  	_ =	swait.ge [sflag:s22], s20  }
0x9f: {  	s4 =	ssub.s32 $0x0, s20;
	[sflag:s22] =	ssyncset.done $0x0  }
0xa0: {  	[sflag:s22] =	ssyncadd.s32 s4;
	_ =	sdelay $0x1  }
0xa1: {  	s23 =	simm.s32 $0x1B8B  }
0xa2: {  	_ =	swait.ge [sflag:s23], $0x1  }
0xa3: {  	[sflag:s23] =	ssyncset.done $0x0  }
0xa4: {  	s25 =	simm.s32 $0x1B8E;
	s24 =	sld [smem:$0x3FFE];
	[sflag:s23] =	ssyncadd.s32 $0xFFFFFFFF  }
0xa5: {  	s26 =	simm.s32 $execute0_lowered;
	[smem:$0x3FD2] =	sst s25  }
0xa6: {  	s5 =	sshll.u32 s26, $0x1;
	_ =	strace $0x80000046;
	[dreg:$0x1] =	wrdreg $0xFFFFFFFF  }
0xa7: {  	s28 =	simm.s32 $_size_execute0_lowered;
	s3 =	sadd.s32 s3, s5;
	[dreg:$0x0] =	wrdreg $0x0  }
0xa8: {  	s5 =	sshll.u32 s28, $0x1;
	[dreg:$0x2] =	wrdreg s3  }
0xa9: {  	[dreg:$0x3] =	wrdreg s5  }
0xaa: {  	[dreg:$0x4] =	wrdreg $0xC0  }
0xab: {  	_ =	task [dreg:s7], $0x5FFFF  }
0xac: {  	[dreg:$0x1] =	wrdreg $0xFFFFFFFF  }
0xad: {  	[dreg:$0x0] =	wrdreg $0x60  }
0xae: {  	[dreg:$0x2] =	wrdreg s24  }
0xaf: {  	[dreg:$0x3] =	wrdreg s2  }
0xb0: {  	[dreg:$0x4] =	wrdreg $0x50800  }
0xb1: {  	[dreg:$0x5] =	wrdreg $0x9  }
0xb2: {  	_ =	task.clear_ibuf [dreg:s7], $0x6FFFF;
	_ =	strace $0x90000046  }
0xb3: {  	s29 =	simm.s32 $0x9;
	_ =	strace $0x80000048  }
0xb4: {  	_ =	swait.ge [sflag:s29], $0x1  }
0xb5: {  	[sflag:s29] =	ssyncadd.s32 $0xFFFFFFFF  }
0xb6: {  	_ =	strace $0x90000048  }
0xb7: {  	_ =	sfence  }
0xb8: {  	s30 =	sld [smem:$0x0];
	_ =	sdelay $0x2  }
0xb9: {  	s31 =	sshll.u32 s1, $0xD;
	s1 =	sshrl.u32 s1, $0x2  }
0xba: {  	s3 =	sand.u32 $0x4000, s31;
	s1 =	sadd.s32 s1, s30  }
0xbb: {  	s0 =	sor.u32 s3, s0;
	s1 =	sshll.u32 s1, $0x11  }
0xbc: {  	s0 =	sor.u32 s1, s0  }
0xbd: {  	s0 =	sadd.s32 $0x8F2B, s0  }
0xbe: {  	[sflag:s0] =	ssyncadd.remote.s32 $0x1  }
0xbf: {  	_ =	sfence.sel $0xFFFF  }
0xc0: {  	[dreg:$0x0] =	wrdreg $0xFFFFFFFF;
	(pc) =	sbr.abs _section_cstart, $3  }
0xc1: {  	[dreg:$0x1] =	wrdreg $0xFFFFFFFF  }
0xc2: {  	_ =	task.clear_ibuf [dreg:s7], $0x2FFFF;
	_ =	strace $0x9FFFFFFF  }
0xc3: {  	(tm) =	ssettm $0x7FFFFFFF  }
tec
execute0_lowered:
.L_overlay_start_1:
0x0: {  	(tag) =	ssettag $0x1  }
0x1: {  	s4 =	rddreg [dreg:$0x0]  }
0x2: {  	s0 =	srdreg.scid;
	s6 =	rddreg [dreg:$0x1]  }
0x3: {  	s1 =	rddreg [dreg:$0x2];
	s13 =	stileid.u32  }
0x4: {  	s2 =	simm.s32 $0x0;
	s11 =	simm.s32 $0x2880;
	s12 =	simm.s32 $0x50  }
0x5: {  	s15 =	simm.s32 $0x0;
	s3 =	sand.u32 $0x1, s0;
	s0 =	rddreg [dreg:$0x3]  }
0x6: {  	[smem:$0x7FF] =	sst s2;
	s9 =	sshll.u32 s13, $0xB;
	p0 =	sne.s32 s13, $0x0  }
0x7: {  	p1 =	sgt.u32 s13, $0x4;
	s5 =	sshll.u32 s3, $0x4;
	_ =	strace $0x80000047  }
0x8: {  	s7 =	smul.u32 $0x2800, s3;
	s8 =	ssub.s32 $0x2, s3;
	s3 =	sadd.s32 $0xC000, s4  }
0x9: {  	s14 =	sadd.s32 s9, s1;
	s5 =	sor.u32 s13, s5;
	s10 =	sshrl.u32 s8, $0x1  }
0xa: {  	s13 =	sshll.u32 @!p1 s13, $0x6;
	s14 =	sshrl.u32 @!p1 s14, $0x3;
	s5 =	smul.u32 $0x500, s5  }
0xb: {  	s7 =	sadd.s32 s9, s7;
	s8 =	ssub.s32 s8, s10;
	s9 =	simm.s32 $0x1  }
0xc: {  	s10 =	simm.s32 $0x2800;
	s13 =	sor.u32 @!p1 $0x1C01, s13;
	s7 =	sshrl.u32 s7, $0x3  }
0xd: {  	s5 =	sadd.s32 s5, s4;
	s4 =	sadd.s32 $0xC200, s4;
	s6 =	sadd.s32 s6, s7  }
0xe: {  	v0 =	vimm.f32 $0.0e+00;
	v1 =	vimm.f32 $1.000000000e+00;
	s7 =	smax.u32 s8, $0x1;
	s8 =	sshrl.u32 @!p0 s1, $0x3;
	s5 =	sadd.s32 $0x2000, s5  }
.LBB2_1:
0xf: {  	s16 =	simm.s32 @!p0 $0x1C01  }
0x10: {  	[spmem:s8], [sflag:s16] =	dma.local @!p0 [hbm:s4], $0x500  }
0x11: {  	s16 =	simm.s32 @!p0 $0x1  }
0x12: {  	_ =	swait.ge @!p0 [sflag:s16], $0x500  }
0x13: {  	[sflag:s16] =	ssyncset.done @!p0 $0x0  }
0x14: {  	[sflag:s16] =	ssyncadd.s32 @!p0 $0xFFFFFB00  }
0x15: {  	[tilespmem:s2], [sflag:$0x1] =	stream.linear.gather [hbm4b:s5+s2], $0x2800, $0x38;
	[tilespmem:$0x5300] =	vst v63  }
0x16: {  	_ =	swait.ge [sflag:s9], $0x2800  }
0x17: {  	[sflag:s9] =	ssyncset.done $0x0  }
0x18: {  	[sflag:s9] =	ssyncadd.s32 $0xFFFFD800  }
0x19: {  	[tilespmem:s10], [sflag:$0x1] =	stream.linear.gather [hbm4b:s3+s2], $0x80, $0x38;
	[tilespmem:$0x5300] =	vst v63  }
0x1a: {  	_ =	swait.ge [sflag:s9], $0x80  }
0x1b: {  	s17 =	simm.s32 $0x70;
	[sflag:s9] =	ssyncset.done $0x0  }
0x1c: {  	s18 =	simm.s32 $0x3C0;
	s16 =	simm.s32 $0x1C0;
	[sflag:s9] =	ssyncadd.s32 $0xFFFFFF80  }
.LBB2_2:
0x1d: {  	p2 =	sne.s32 s18, $0x9FC0;
	[tilespmem:s17+$0x2880] =	vst v0  }
0x1e: {  	[tilespmem:s17+$0x2810] =	vst v0  }
0x1f: {  	[tilespmem:s17+$0x2820] =	vst v0  }
.Ltmp0:
0x20: {  	[tilespmem:s17+$0x2830] =	vst v0;
	(pc) =	sbr.rel @p2 .LBB2_2-.Ltmp0, $4  }
0x21: {  	[tilespmem:s17+$0x2840] =	vst v0  }
0x22: {  	[tilespmem:s17+$0x2850] =	vst v0  }
0x23: {  	[tilespmem:s17+$0x2860] =	vst v0  }
0x24: {  	[tilespmem:s17+$0x2870] =	vst v0;
	s17 =	sshra.s32 s18, $0x2;
	s18 =	sadd.s32 $0x200, s18  }
0x25: {  	[tilespmem:s17+$0x2880] =	vst v0  }
0x26: {  	[tilespmem:s17+$0x2810] =	vst v0  }
0x27: {  	[tilespmem:s17+$0x2820] =	vst v0  }
0x28: {  	[tilespmem:s17+$0x2830] =	vst v0  }
0x29: {  	[tilespmem:s17+$0x2840] =	vst v0  }
0x2a: {  	[tilespmem:s17+$0x2850] =	vst v0  }
0x2b: {  	[tilespmem:s17+$0x2860] =	vst v0  }
0x2c: {  	[tilespmem:s17+$0x2870] =	vst v0  }
.LBB2_4:
0x2d: {  	s17 =	sshra.s32 s16, $0x2  }
0x2e: {  	v2 =	vld [tilespmem:s17+$0xFFFFFF90];
	_ =	sdelay $0x7  }
0x2f: {  	[tilespmem:v2+s11+$0x0] =	vst.idx.add.f32.msk $0xffff, v1  }
0x30: {  	v2 =	vld [tilespmem:s17+$0xFFFFFFA0];
	_ =	sdelay $0x7  }
0x31: {  	[tilespmem:v2+s11+$0x0] =	vst.idx.add.f32.msk $0xffff, v1  }
0x32: {  	v2 =	vld [tilespmem:s17+$0xFFFFFFB0];
	_ =	sdelay $0x7  }
0x33: {  	[tilespmem:v2+s11+$0x0] =	vst.idx.add.f32.msk $0xffff, v1  }
0x34: {  	v2 =	vld [tilespmem:s17+$0xFFFFFFC0];
	_ =	sdelay $0x7  }
0x35: {  	[tilespmem:v2+s11+$0x0] =	vst.idx.add.f32.msk $0xffff, v1  }
0x36: {  	v2 =	vld [tilespmem:s17+$0xFFFFFFD0];
	_ =	sdelay $0x7  }
0x37: {  	[tilespmem:v2+s11+$0x0] =	vst.idx.add.f32.msk $0xffff, v1  }
0x38: {  	v2 =	vld [tilespmem:s17+$0xFFFFFFE0];
	_ =	sdelay $0x7  }
0x39: {  	[tilespmem:v2+s11+$0x0] =	vst.idx.add.f32.msk $0xffff, v1  }
0x3a: {  	v2 =	vld [tilespmem:s17+$0xFFFFFFF0];
	_ =	sdelay $0x7  }
0x3b: {  	[tilespmem:v2+s11+$0x0] =	vst.idx.add.f32.msk $0xffff, v1  }
0x3c: {  	v2 =	vld [tilespmem:s17+$0x0];
	_ =	sdelay $0x2  }
0x3d: {  	p2 =	sne.s32 s16, $0x9FC0  }
.Ltmp1:
0x3e: {  	_ = 	snop;
	(pc) =	sbr.rel @p2 .LBB2_4-.Ltmp1, $2  }
0x3f: {  	_ =	sdelay $0x2  }
0x40: {  	s16 =	sadd.s32 $0x200, s16;
	[tilespmem:v2+s11+$0x0] =	vst.idx.add.f32.msk $0xffff, v1  }
0x41: {  	[bflag:$0x0] =	sbarrier.arrive $0xFFFF  }
0x42: {  	[spmem:s1] =	stream.indirect.scatter.add.f32 [tilespmem:s11], [sflag:$0x1], $0x80, s10, s12, $0xb8;
	[tilespmem:$0x5300] =	vst v63  }
0x43: {  	_ =	swait.ge [sflag:s9], $0x2800  }
0x44: {  	s15 =	sadd.s32 $0x1, s15;
	[sflag:s9] =	ssyncset.done $0x0  }
0x45: {  	p2 =	sne.s32 s15, s7;
	[sflag:s9] =	ssyncadd.s32 $0xFFFFD800  }
.Ltmp2:
0x46: {  	s16 =	simm.s32 @!p1 $0x1;
	[bflag:$0x0] =	sbarrier.arrive $0xFFFF;
	(pc) =	sbr.rel @p2 .LBB2_1-.Ltmp2, $4  }
0x47: {  	[hbm:s6], [sflag:s13] =	dma.local @!p1 [spmem:s14], $0x100  }
0x48: {  	_ =	swait.ge @!p1 [sflag:s16], $0x100  }
0x49: {  	[sflag:s16] =	ssyncset.done @!p1 $0x0  }
0x4a: {  	[sflag:s16] =	ssyncadd.s32 @!p1 $0xFFFFFF00  }
0x4b: {  	_ =	sfence.sel $0x180000  }
0x4c: {  	[bflag:$0x0] =	sbarrier.arrive $0xFFFF  }
0x4d: {  	_ =	strace $0x90000047  }
0x4e: {  	s0 =	sadd.s32 @!p0 $0x100000, s0;
	[bflag:$0x2] =	sbarrier.arrive $0xFFFF  }
0x4f: {  	[sflag:s0] =	ssyncadd.tile.s32 @!p0 $0x1;
	_ =	shalt  }
.Lfunc_end2:
_tile_overlayer_lowered:
.L_overlay_start_2:
0x50: {  	(tag) =	ssettag $0x2  }
0x51: {  	s0 =	rddreg [dreg:$0x0];
	s2 =	stileid.u32  }
0x52: {  	s1 =	rddreg [dreg:$0x1];
	p0 =	sne.s32 s2, $0x0  }
0x53: {  	s3 =	rddreg [dreg:$0x2];
	[bflag:$0x3] =	sbarrier.arrive $0xFFFF;
	s2 =	simm.s32 @!p0 $0x1C01  }
0x54: {  	[timem:s3], [sflag:s2] =	dma.local @!p0 [hbm:s0], s1  }
0x55: {  	s0 =	simm.s32 @!p0 $0x1  }
0x56: {  	_ =	swait.ge @!p0 [sflag:s0], s1  }
0x57: {  	s1 =	ssub.s32 @!p0 $0x0, s1;
	[sflag:s0] =	ssyncset.done @!p0 $0x0  }
0x58: {  	[sflag:s0] =	ssyncadd.s32 @!p0 s1  }
0x59: {  	[bflag:$0x3] =	sbarrier.arrive $0xFFFF  }
0x5a: {  	_ =	shalt  }

</sc_bundles>
